<compile_context>
chip_gen: v7x
topology: tpu7x:2x2x1
jax: 0.10.2.dev20260603
libtpu: 0.0.44.dev20260713+nightly
codegen_flags: <defaults>
</compile_context>

<pallas_src>
import functools

import jax
import jax.numpy as jnp
from jax import lax
from jax.experimental import pallas as pl
from jax.experimental.pallas import tpu as pltpu, tpu_sc as plsc

B = 16384
D = 64
L = 16
CH = 128


def _make_sc_kernel():
    info = plsc.get_sparse_core_info()
    nc, ns = info.num_cores, info.num_subcores
    nw = nc * ns
    b_per_w = B // nw
    n_ch = b_per_w // CH
    mesh = plsc.VectorSubcoreMesh(core_axis_name="c", subcore_axis_name="s")

    @functools.partial(
        pl.kernel,
        mesh=mesh,
        compiler_params=pltpu.CompilerParams(needs_layout_passes=False),
        out_type=jax.ShapeDtypeStruct((B, D), jnp.float32),
        scratch_types=[
            pltpu.VMEM((b_per_w,), jnp.int32),
            pltpu.VMEM((b_per_w,), jnp.int32),
            pltpu.VMEM((b_per_w,), jnp.int32),
            pltpu.VMEM((CH, D), jnp.float32),
            pltpu.VMEM((CH, D), jnp.float32),
            pltpu.VMEM((CH, D), jnp.float32),
            pltpu.SemaphoreType.DMA,
        ],
    )
    def k(pred_idx_hbm, head_idx_hbm, tail_idx_hbm, const_hbm, pred_hbm,
          out_hbm, pidx_v, hidx_v, tidx_v, p_v, h_v, t_v, sem):
        wid = lax.axis_index("s") * nc + lax.axis_index("c")
        base = wid * b_per_w
        pltpu.sync_copy(pred_idx_hbm.at[pl.ds(base, b_per_w)], pidx_v)
        pltpu.sync_copy(head_idx_hbm.at[pl.ds(base, b_per_w)], hidx_v)
        pltpu.sync_copy(tail_idx_hbm.at[pl.ds(base, b_per_w)], tidx_v)

        def chunk_body(ch, _):
            off = pl.multiple_of(ch * CH, 8)

            def issue_body(g, _):
                sl = pl.ds(off + g * L, L)
                for idx_v, tbl, dst in ((pidx_v, pred_hbm, p_v),
                                        (hidx_v, const_hbm, h_v),
                                        (tidx_v, const_hbm, t_v)):
                    vec = idx_v[sl]
                    for j in range(L):
                        r = jnp.squeeze(lax.slice(vec, (j,), (j + 1,)))
                        pltpu.async_copy(tbl.at[r], dst.at[g * L + j], sem)
                return 0

            lax.fori_loop(0, CH // L, issue_body, 0)

            def drain_body(i, _):
                pltpu.make_async_copy(pred_hbm.at[0], p_v.at[0], sem).wait()
                return 0

            lax.fori_loop(0, 3 * CH, drain_body, 0)

            def combine_body(i, _):
                for j in range(D // L):
                    sl = pl.ds(j * L, L)
                    p_v[i, sl] = p_v[i, sl] + h_v[i, sl] - t_v[i, sl]
                return 0

            lax.fori_loop(0, CH, combine_body, 0)
            pltpu.sync_copy(p_v, out_hbm.at[pl.ds(base + off, CH)])
            return 0

        lax.fori_loop(0, n_ch, chunk_body, 0)

    return k


_sc_kernel = _make_sc_kernel()


@jax.jit
def kernel(sub_indices, constant_table, predicate_table):
    pred_idx = sub_indices[:, 0]
    head_idx = sub_indices[:, 1]
    tail_idx = sub_indices[:, 2]
    return _sc_kernel(pred_idx, head_idx, tail_idx, constant_table,
                      predicate_table)

# --- scband reference (transcript-rebuilt; emitter-appended) ---
"""Pipeline reference for scband-kgemodel-19748259627364 (READ-ONLY COPY).

The authoritative reference and input builder live on the scoring server;
editing this copy changes nothing except your own understanding.
"""

import jax, jax.numpy as jnp
import numpy as np

B = 16384
D = 64
N_CONST = 1000000  # n_constants + n_vars
N_PRED = 1000000


def setup_inputs(seed: int = 0) -> dict:
    key = jax.random.key(seed)
    k1, k2, k3 = jax.random.split(key, 3)
    # indices valid for both tables: predicate table has N_PRED+3 rows, constant table N_CONST+1 rows
    sub_indices = jax.random.randint(k1, (B, 3), 0, 1000000, dtype=jnp.int32)
    # constant embedding table (nn.Embedding(n_constants + n_vars + 1, D, padding_idx=0), xavier-uniform init)
    fan = N_CONST + 1 + D
    bound_c = float(np.sqrt(6.0 / fan))
    constant_table = jax.random.uniform(k2, (N_CONST + 1, D), minval=-bound_c, maxval=bound_c, dtype=jnp.float32)
    constant_table = constant_table.at[0].set(0.0)  # padding_idx=0
    # predicate embedding table (nn.Embedding(n_predicates + 3, D, padding_idx=0), xavier-uniform init)
    fan_p = N_PRED + 3 + D
    bound_p = float(np.sqrt(6.0 / fan_p))
    predicate_table = jax.random.uniform(k3, (N_PRED + 3, D), minval=-bound_p, maxval=bound_p, dtype=jnp.float32)
    predicate_table = predicate_table.at[0].set(0.0)  # padding_idx=0
    return {"sub_indices": sub_indices, "constant_table": constant_table, "predicate_table": predicate_table}


def reference(sub_indices, constant_table, predicate_table):
    # KGEModel.get_embeddings_batch with TransE kge, dropout=0, regularization=0
    predicate_indices = sub_indices[..., 0:1]            # [B, 1]
    constant_indices = sub_indices[..., 1:]              # [B, 2]
    constant_embeddings = jnp.take(constant_table, constant_indices, axis=0)    # [B, 2, D]
    predicate_embeddings = jnp.take(predicate_table, predicate_indices, axis=0)  # [B, 1, D]
    # TransE.forward
    predicate_emb = jnp.squeeze(predicate_embeddings, axis=-2)  # [B, D]
    head = constant_embeddings[..., 0, :]                        # [B, D]
    tail = constant_embeddings[..., 1, :]                        # [B, D]
    embeddings = predicate_emb + head - tail                     # [B, D]
    return embeddings

if __name__ == "__main__":
    import jax
    _d = setup_inputs()
    print(jax.jit(kernel)(*tuple(_d.values())))

</pallas_src>

<mosaic_0001>
#map = affine_map<(d0, d1) -> (0)>
#map1 = affine_map<(d0, d1) -> (0, 0)>
module attributes {stable_mosaic.version = 14 : i64} {
  func.func @k(%arg0: i32, %arg1: i32, %arg2: memref<16384xi32, #tpu.memory_space<hbm>>, %arg3: memref<16384xi32, #tpu.memory_space<hbm>>, %arg4: memref<16384xi32, #tpu.memory_space<hbm>>, %arg5: memref<1000001x64xf32, #tpu.memory_space<hbm>>, %arg6: memref<1000003x64xf32, #tpu.memory_space<hbm>>, %arg7: memref<16384x64xf32, #tpu.memory_space<hbm>>, %arg8: memref<512xi32, #tpu.memory_space<vmem>>, %arg9: memref<512xi32, #tpu.memory_space<vmem>>, %arg10: memref<512xi32, #tpu.memory_space<vmem>>, %arg11: memref<128x64xf32, #tpu.memory_space<vmem>>, %arg12: memref<128x64xf32, #tpu.memory_space<vmem>>, %arg13: memref<128x64xf32, #tpu.memory_space<vmem>>, %arg14: memref<!tpu.dma_semaphore, #tpu.memory_space<semaphore_mem>>) attributes {dimension_semantics = [#tpu.dimension_semantics<core_parallel>, #tpu.dimension_semantics<subcore_parallel>], iteration_bounds = array<i64: 2, 16>, scalar_prefetch = 0 : i64, scratch_operands = 7 : i64, tpu.core_type = #tpu.core_type<sc_vector_subcore>, window_params = [{transform_indices = #map}, {transform_indices = #map}, {transform_indices = #map}, {transform_indices = #map1}, {transform_indices = #map1}, {transform_indices = #map1}]} {
    %mul3A = arith.constant 2 : i32
    %mul3A_0 = arith.muli %arg1, %mul3A : i32
    %add3A = arith.addi %mul3A_0, %arg0 : i32
    %mul3A_1 = arith.constant 512 : i32
    %mul3A_2 = arith.muli %add3A, %mul3A_1 : i32
    "tpu.region"() ({
      %run_scoped3A = tpu.sem_alloc : memref<!tpu.dma_semaphore, #tpu.memory_space<semaphore_mem>>
      %dma_start3A = tpu.memref_slice %arg2[%mul3A_2] : memref<16384xi32, #tpu.memory_space<hbm>> -> memref<512xi32, #tpu.memory_space<hbm>>
      %dma_start3A_9 = tpu.memref_slice %arg2[%mul3A_2] : memref<16384xi32, #tpu.memory_space<hbm>> -> memref<512xi32, #tpu.memory_space<hbm>>
      tpu.enqueue_dma source(%dma_start3A_9 : memref<512xi32, #tpu.memory_space<hbm>>) target(%arg8 : memref<512xi32, #tpu.memory_space<vmem>>) target_semaphore(%run_scoped3A : memref<!tpu.dma_semaphore, #tpu.memory_space<semaphore_mem>>)
      %dma_wait3A = tpu.memref_slice %arg2[%mul3A_2] : memref<16384xi32, #tpu.memory_space<hbm>> -> memref<512xi32, #tpu.memory_space<hbm>>
      %dma_wait3A_10 = tpu.memref_slice %arg2[%mul3A_2] : memref<16384xi32, #tpu.memory_space<hbm>> -> memref<512xi32, #tpu.memory_space<hbm>>
      tpu.wait_dma2 semaphore(%run_scoped3A : memref<!tpu.dma_semaphore, #tpu.memory_space<semaphore_mem>>) src(%dma_wait3A_10 : memref<512xi32, #tpu.memory_space<hbm>>) dst(%arg8 : memref<512xi32, #tpu.memory_space<vmem>>)
      tpu.yield
    }) : () -> ()
    "tpu.region"() ({
      %run_scoped3A = tpu.sem_alloc : memref<!tpu.dma_semaphore, #tpu.memory_space<semaphore_mem>>
      %dma_start3A = tpu.memref_slice %arg3[%mul3A_2] : memref<16384xi32, #tpu.memory_space<hbm>> -> memref<512xi32, #tpu.memory_space<hbm>>
      %dma_start3A_9 = tpu.memref_slice %arg3[%mul3A_2] : memref<16384xi32, #tpu.memory_space<hbm>> -> memref<512xi32, #tpu.memory_space<hbm>>
      tpu.enqueue_dma source(%dma_start3A_9 : memref<512xi32, #tpu.memory_space<hbm>>) target(%arg9 : memref<512xi32, #tpu.memory_space<vmem>>) target_semaphore(%run_scoped3A : memref<!tpu.dma_semaphore, #tpu.memory_space<semaphore_mem>>)
      %dma_wait3A = tpu.memref_slice %arg3[%mul3A_2] : memref<16384xi32, #tpu.memory_space<hbm>> -> memref<512xi32, #tpu.memory_space<hbm>>
      %dma_wait3A_10 = tpu.memref_slice %arg3[%mul3A_2] : memref<16384xi32, #tpu.memory_space<hbm>> -> memref<512xi32, #tpu.memory_space<hbm>>
      tpu.wait_dma2 semaphore(%run_scoped3A : memref<!tpu.dma_semaphore, #tpu.memory_space<semaphore_mem>>) src(%dma_wait3A_10 : memref<512xi32, #tpu.memory_space<hbm>>) dst(%arg9 : memref<512xi32, #tpu.memory_space<vmem>>)
      tpu.yield
    }) : () -> ()
    "tpu.region"() ({
      %run_scoped3A = tpu.sem_alloc : memref<!tpu.dma_semaphore, #tpu.memory_space<semaphore_mem>>
      %dma_start3A = tpu.memref_slice %arg4[%mul3A_2] : memref<16384xi32, #tpu.memory_space<hbm>> -> memref<512xi32, #tpu.memory_space<hbm>>
      %dma_start3A_9 = tpu.memref_slice %arg4[%mul3A_2] : memref<16384xi32, #tpu.memory_space<hbm>> -> memref<512xi32, #tpu.memory_space<hbm>>
      tpu.enqueue_dma source(%dma_start3A_9 : memref<512xi32, #tpu.memory_space<hbm>>) target(%arg10 : memref<512xi32, #tpu.memory_space<vmem>>) target_semaphore(%run_scoped3A : memref<!tpu.dma_semaphore, #tpu.memory_space<semaphore_mem>>)
      %dma_wait3A = tpu.memref_slice %arg4[%mul3A_2] : memref<16384xi32, #tpu.memory_space<hbm>> -> memref<512xi32, #tpu.memory_space<hbm>>
      %dma_wait3A_10 = tpu.memref_slice %arg4[%mul3A_2] : memref<16384xi32, #tpu.memory_space<hbm>> -> memref<512xi32, #tpu.memory_space<hbm>>
      tpu.wait_dma2 semaphore(%run_scoped3A : memref<!tpu.dma_semaphore, #tpu.memory_space<semaphore_mem>>) src(%dma_wait3A_10 : memref<512xi32, #tpu.memory_space<hbm>>) dst(%arg10 : memref<512xi32, #tpu.memory_space<vmem>>)
      tpu.yield
    }) : () -> ()
    %scan3A = arith.constant 0 : i32
    %scan3A_3 = arith.constant 0 : i32
    %scan3A_4 = arith.constant 4 : i32
    %scan3A_5 = arith.addi %scan3A_3, %scan3A_4 : i32
    %scan3A_6 = arith.constant 1 : i32
    %scan3A_7 = scf.for %scan3A_9 = %scan3A_3 to %scan3A_5 step %scan3A_6 iter_args(%scan3A_10 = %scan3A) -> (i32)  : i32 {
      %mul3A_11 = arith.constant 128 : i32
      %mul3A_12 = arith.muli %scan3A_9, %mul3A_11 : i32
      %multiple_of3A = tpu.assume_multiple %mul3A_12, 8 : i32
      %scan3A_13 = arith.constant 0 : i32
      %scan3A_14 = arith.constant 0 : i32
      %scan3A_15 = arith.constant 8 : i32
      %scan3A_16 = arith.addi %scan3A_14, %scan3A_15 : i32
      %scan3A_17 = arith.constant 1 : i32
      %scan3A_18 = scf.for %scan3A_36 = %scan3A_14 to %scan3A_16 step %scan3A_17 iter_args(%scan3A_37 = %scan3A_13) -> (i32)  : i32 {
        %mul3A_38 = arith.constant 16 : i32
        %mul3A_39 = arith.muli %scan3A_36, %mul3A_38 : i32
        %add3A_40 = arith.addi %multiple_of3A, %mul3A_39 : i32
        %get3A = arith.index_cast %add3A_40 : i32 to index
        %get3A_41 = tpu.vector_load %arg8[%get3A] {strides = array<i32>} : memref<512xi32, #tpu.memory_space<vmem>>, vector<16xi32>,
        %slice3A = vector.extract_strided_slice %get3A_41 {offsets = [0], sizes = [1], strides = [1]} : vector<16xi32> to vector<1xi32>
        %squeeze3A = vector.extract %slice3A[0] : i32 from vector<1xi32>
        %mul3A_42 = arith.constant 16 : i32
        %mul3A_43 = arith.muli %scan3A_36, %mul3A_42 : i32
        %add3A_44 = arith.constant 0 : i32
        %add3A_45 = arith.addi %mul3A_43, %add3A_44 : i32
        %dma_start3A = arith.constant 0 : i32
        %dma_start3A_46 = tpu.memref_slice %arg11[%add3A_45, %dma_start3A] : memref<128x64xf32, #tpu.memory_space<vmem>> -> memref<1x64xf32, #tpu.memory_space<vmem>>
        %dma_start3A_47 = tpu.memref_squeeze %dma_start3A_46 : memref<1x64xf32, #tpu.memory_space<vmem>> -> memref<64xf32, #tpu.memory_space<vmem>>
        %dma_start3A_48 = arith.constant 0 : i32
        %dma_start3A_49 = tpu.memref_slice %arg6[%squeeze3A, %dma_start3A_48] : memref<1000003x64xf32, #tpu.memory_space<hbm>> -> memref<1x64xf32, #tpu.memory_space<hbm>>
        %dma_start3A_50 = tpu.memref_squeeze %dma_start3A_49 : memref<1x64xf32, #tpu.memory_space<hbm>> -> memref<64xf32, #tpu.memory_space<hbm>>
        %dma_start3A_51 = arith.constant 0 : i32
        %dma_start3A_52 = tpu.memref_slice %arg11[%add3A_45, %dma_start3A_51] : memref<128x64xf32, #tpu.memory_space<vmem>> -> memref<1x64xf32, #tpu.memory_space<vmem>>
        %dma_start3A_53 = tpu.memref_squeeze %dma_start3A_52 : memref<1x64xf32, #tpu.memory_space<vmem>> -> memref<64xf32, #tpu.memory_space<vmem>>
        %dma_start3A_54 = arith.constant 0 : i32
        %dma_start3A_55 = tpu.memref_slice %arg6[%squeeze3A, %dma_start3A_54] : memref<1000003x64xf32, #tpu.memory_space<hbm>> -> memref<1x64xf32, #tpu.memory_space<hbm>>
        %dma_start3A_56 = tpu.memref_squeeze %dma_start3A_55 : memref<1x64xf32, #tpu.memory_space<hbm>> -> memref<64xf32, #tpu.memory_space<hbm>>
        tpu.enqueue_dma source(%dma_start3A_56 : memref<64xf32, #tpu.memory_space<hbm>>) target(%dma_start3A_53 : memref<64xf32, #tpu.memory_space<vmem>>) target_semaphore(%arg14 : memref<!tpu.dma_semaphore, #tpu.memory_space<semaphore_mem>>)
        %slice3A_57 = vector.extract_strided_slice %get3A_41 {offsets = [1], sizes = [1], strides = [1]} : vector<16xi32> to vector<1xi32>
        %squeeze3A_58 = vector.extract %slice3A_57[0] : i32 from vector<1xi32>
        %mul3A_59 = arith.constant 16 : i32
        %mul3A_60 = arith.muli %scan3A_36, %mul3A_59 : i32
        %add3A_61 = arith.constant 1 : i32
        %add3A_62 = arith.addi %mul3A_60, %add3A_61 : i32
        %dma_start3A_63 = arith.constant 0 : i32
        %dma_start3A_64 = tpu.memref_slice %arg11[%add3A_62, %dma_start3A_63] : memref<128x64xf32, #tpu.memory_space<vmem>> -> memref<1x64xf32, #tpu.memory_space<vmem>>
        %dma_start3A_65 = tpu.memref_squeeze %dma_start3A_64 : memref<1x64xf32, #tpu.memory_space<vmem>> -> memref<64xf32, #tpu.memory_space<vmem>>
        %dma_start3A_66 = arith.constant 0 : i32
        %dma_start3A_67 = tpu.memref_slice %arg6[%squeeze3A_58, %dma_start3A_66] : memref<1000003x64xf32, #tpu.memory_space<hbm>> -> memref<1x64xf32, #tpu.memory_space<hbm>>
        %dma_start3A_68 = tpu.memref_squeeze %dma_start3A_67 : memref<1x64xf32, #tpu.memory_space<hbm>> -> memref<64xf32, #tpu.memory_space<hbm>>
        %dma_start3A_69 = arith.constant 0 : i32
        %dma_start3A_70 = tpu.memref_slice %arg11[%add3A_62, %dma_start3A_69] : memref<128x64xf32, #tpu.memory_space<vmem>> -> memref<1x64xf32, #tpu.memory_space<vmem>>
        %dma_start3A_71 = tpu.memref_squeeze %dma_start3A_70 : memref<1x64xf32, #tpu.memory_space<vmem>> -> memref<64xf32, #tpu.memory_space<vmem>>
        %dma_start3A_72 = arith.constant 0 : i32
        %dma_start3A_73 = tpu.memref_slice %arg6[%squeeze3A_58, %dma_start3A_72] : memref<1000003x64xf32, #tpu.memory_space<hbm>> -> memref<1x64xf32, #tpu.memory_space<hbm>>
        %dma_start3A_74 = tpu.memref_squeeze %dma_start3A_73 : memref<1x64xf32, #tpu.memory_space<hbm>> -> memref<64xf32, #tpu.memory_space<hbm>>
        tpu.enqueue_dma source(%dma_start3A_74 : memref<64xf32, #tpu.memory_space<hbm>>) target(%dma_start3A_71 : memref<64xf32, #tpu.memory_space<vmem>>) target_semaphore(%arg14 : memref<!tpu.dma_semaphore, #tpu.memory_space<semaphore_mem>>)
        %slice3A_75 = vector.extract_strided_slice %get3A_41 {offsets = [2], sizes = [1], strides = [1]} : vector<16xi32> to vector<1xi32>
        %squeeze3A_76 = vector.extract %slice3A_75[0] : i32 from vector<1xi32>
        %mul3A_77 = arith.constant 16 : i32
        %mul3A_78 = arith.muli %scan3A_36, %mul3A_77 : i32
        %add3A_79 = arith.constant 2 : i32
        %add3A_80 = arith.addi %mul3A_78, %add3A_79 : i32
        %dma_start3A_81 = arith.constant 0 : i32
        %dma_start3A_82 = tpu.memref_slice %arg11[%add3A_80, %dma_start3A_81] : memref<128x64xf32, #tpu.memory_space<vmem>> -> memref<1x64xf32, #tpu.memory_space<vmem>>
        %dma_start3A_83 = tpu.memref_squeeze %dma_start3A_82 : memref<1x64xf32, #tpu.memory_space<vmem>> -> memref<64xf32, #tpu.memory_space<vmem>>
        %dma_start3A_84 = arith.constant 0 : i32
        %dma_start3A_85 = tpu.memref_slice %arg6[%squeeze3A_76, %dma_start3A_84] : memref<1000003x64xf32, #tpu.memory_space<hbm>> -> memref<1x64xf32, #tpu.memory_space<hbm>>
        %dma_start3A_86 = tpu.memref_squeeze %dma_start3A_85 : memref<1x64xf32, #tpu.memory_space<hbm>> -> memref<64xf32, #tpu.memory_space<hbm>>
        %dma_start3A_87 = arith.constant 0 : i32
        %dma_start3A_88 = tpu.memref_slice %arg11[%add3A_80, %dma_start3A_87] : memref<128x64xf32, #tpu.memory_space<vmem>> -> memref<1x64xf32, #tpu.memory_space<vmem>>
        %dma_start3A_89 = tpu.memref_squeeze %dma_start3A_88 : memref<1x64xf32, #tpu.memory_space<vmem>> -> memref<64xf32, #tpu.memory_space<vmem>>
        %dma_start3A_90 = arith.constant 0 : i32
        %dma_start3A_91 = tpu.memref_slice %arg6[%squeeze3A_76, %dma_start3A_90] : memref<1000003x64xf32, #tpu.memory_space<hbm>> -> memref<1x64xf32, #tpu.memory_space<hbm>>
        %dma_start3A_92 = tpu.memref_squeeze %dma_start3A_91 : memref<1x64xf32, #tpu.memory_space<hbm>> -> memref<64xf32, #tpu.memory_space<hbm>>
        tpu.enqueue_dma source(%dma_start3A_92 : memref<64xf32, #tpu.memory_space<hbm>>) target(%dma_start3A_89 : memref<64xf32, #tpu.memory_space<vmem>>) target_semaphore(%arg14 : memref<!tpu.dma_semaphore, #tpu.memory_space<semaphore_mem>>)
        %slice3A_93 = vector.extract_strided_slice %get3A_41 {offsets = [3], sizes = [1], strides = [1]} : vector<16xi32> to vector<1xi32>
        %squeeze3A_94 = vector.extract %slice3A_93[0] : i32 from vector<1xi32>
        %mul3A_95 = arith.constant 16 : i32
        %mul3A_96 = arith.muli %scan3A_36, %mul3A_95 : i32
        %add3A_97 = arith.constant 3 : i32
        %add3A_98 = arith.addi %mul3A_96, %add3A_97 : i32
        %dma_start3A_99 = arith.constant 0 : i32
        %dma_start3A_100 = tpu.memref_slice %arg11[%add3A_98, %dma_start3A_99] : memref<128x64xf32, #tpu.memory_space<vmem>> -> memref<1x64xf32, #tpu.memory_space<vmem>>
        %dma_start3A_101 = tpu.memref_squeeze %dma_start3A_100 : memref<1x64xf32, #tpu.memory_space<vmem>> -> memref<64xf32, #tpu.memory_space<vmem>>
        %dma_start3A_102 = arith.constant 0 : i32
        %dma_start3A_103 = tpu.memref_slice %arg6[%squeeze3A_94, %dma_start3A_102] : memref<1000003x64xf32, #tpu.memory_space<hbm>> -> memref<1x64xf32, #tpu.memory_space<hbm>>
        %dma_start3A_104 = tpu.memref_squeeze %dma_start3A_103 : memref<1x64xf32, #tpu.memory_space<hbm>> -> memref<64xf32, #tpu.memory_space<hbm>>
        %dma_start3A_105 = arith.constant 0 : i32
        %dma_start3A_106 = tpu.memref_slice %arg11[%add3A_98, %dma_start3A_105] : memref<128x64xf32, #tpu.memory_space<vmem>> -> memref<1x64xf32, #tpu.memory_space<vmem>>
        %dma_start3A_107 = tpu.memref_squeeze %dma_start3A_106 : memref<1x64xf32, #tpu.memory_space<vmem>> -> memref<64xf32, #tpu.memory_space<vmem>>
        %dma_start3A_108 = arith.constant 0 : i32
        %dma_start3A_109 = tpu.memref_slice %arg6[%squeeze3A_94, %dma_start3A_108] : memref<1000003x64xf32, #tpu.memory_space<hbm>> -> memref<1x64xf32, #tpu.memory_space<hbm>>
        %dma_start3A_110 = tpu.memref_squeeze %dma_start3A_109 : memref<1x64xf32, #tpu.memory_space<hbm>> -> memref<64xf32, #tpu.memory_space<hbm>>
        tpu.enqueue_dma source(%dma_start3A_110 : memref<64xf32, #tpu.memory_space<hbm>>) target(%dma_start3A_107 : memref<64xf32, #tpu.memory_space<vmem>>) target_semaphore(%arg14 : memref<!tpu.dma_semaphore, #tpu.memory_space<semaphore_mem>>)
        %slice3A_111 = vector.extract_strided_slice %get3A_41 {offsets = [4], sizes = [1], strides = [1]} : vector<16xi32> to vector<1xi32>
        %squeeze3A_112 = vector.extract %slice3A_111[0] : i32 from vector<1xi32>
        %mul3A_113 = arith.constant 16 : i32
        %mul3A_114 = arith.muli %scan3A_36, %mul3A_113 : i32
        %add3A_115 = arith.constant 4 : i32
        %add3A_116 = arith.addi %mul3A_114, %add3A_115 : i32
        %dma_start3A_117 = arith.constant 0 : i32
        %dma_start3A_118 = tpu.memref_slice %arg11[%add3A_116, %dma_start3A_117] : memref<128x64xf32, #tpu.memory_space<vmem>> -> memref<1x64xf32, #tpu.memory_space<vmem>>
        %dma_start3A_119 = tpu.memref_squeeze %dma_start3A_118 : memref<1x64xf32, #tpu.memory_space<vmem>> -> memref<64xf32, #tpu.memory_space<vmem>>
        %dma_start3A_120 = arith.constant 0 : i32
        %dma_start3A_121 = tpu.memref_slice %arg6[%squeeze3A_112, %dma_start3A_120] : memref<1000003x64xf32, #tpu.memory_space<hbm>> -> memref<1x64xf32, #tpu.memory_space<hbm>>
        %dma_start3A_122 = tpu.memref_squeeze %dma_start3A_121 : memref<1x64xf32, #tpu.memory_space<hbm>> -> memref<64xf32, #tpu.memory_space<hbm>>
        %dma_start3A_123 = arith.constant 0 : i32
        %dma_start3A_124 = tpu.memref_slice %arg11[%add3A_116, %dma_start3A_123] : memref<128x64xf32, #tpu.memory_space<vmem>> -> memref<1x64xf32, #tpu.memory_space<vmem>>
        %dma_start3A_125 = tpu.memref_squeeze %dma_start3A_124 : memref<1x64xf32, #tpu.memory_space<vmem>> -> memref<64xf32, #tpu.memory_space<vmem>>
        %dma_start3A_126 = arith.constant 0 : i32
        %dma_start3A_127 = tpu.memref_slice %arg6[%squeeze3A_112, %dma_start3A_126] : memref<1000003x64xf32, #tpu.memory_space<hbm>> -> memref<1x64xf32, #tpu.memory_space<hbm>>
        %dma_start3A_128 = tpu.memref_squeeze %dma_start3A_127 : memref<1x64xf32, #tpu.memory_space<hbm>> -> memref<64xf32, #tpu.memory_space<hbm>>
        tpu.enqueue_dma source(%dma_start3A_128 : memref<64xf32, #tpu.memory_space<hbm>>) target(%dma_start3A_125 : memref<64xf32, #tpu.memory_space<vmem>>) target_semaphore(%arg14 : memref<!tpu.dma_semaphore, #tpu.memory_space<semaphore_mem>>)
        %slice3A_129 = vector.extract_strided_slice %get3A_41 {offsets = [5], sizes = [1], strides = [1]} : vector<16xi32> to vector<1xi32>
        %squeeze3A_130 = vector.extract %slice3A_129[0] : i32 from vector<1xi32>
        %mul3A_131 = arith.constant 16 : i32
        %mul3A_132 = arith.muli %scan3A_36, %mul3A_131 : i32
        %add3A_133 = arith.constant 5 : i32
        %add3A_134 = arith.addi %mul3A_132, %add3A_133 : i32
        %dma_start3A_135 = arith.constant 0 : i32
        %dma_start3A_136 = tpu.memref_slice %arg11[%add3A_134, %dma_start3A_135] : memref<128x64xf32, #tpu.memory_space<vmem>> -> memref<1x64xf32, #tpu.memory_space<vmem>>
        %dma_start3A_137 = tpu.memref_squeeze %dma_start3A_136 : memref<1x64xf32, #tpu.memory_space<vmem>> -> memref<64xf32, #tpu.memory_space<vmem>>
        %dma_start3A_138 = arith.constant 0 : i32
        %dma_start3A_139 = tpu.memref_slice %arg6[%squeeze3A_130, %dma_start3A_138] : memref<1000003x64xf32, #tpu.memory_space<hbm>> -> memref<1x64xf32, #tpu.memory_space<hbm>>
        %dma_start3A_140 = tpu.memref_squeeze %dma_start3A_139 : memref<1x64xf32, #tpu.memory_space<hbm>> -> memref<64xf32, #tpu.memory_space<hbm>>
        %dma_start3A_141 = arith.constant 0 : i32
        %dma_start3A_142 = tpu.memref_slice %arg11[%add3A_134, %dma_start3A_141] : memref<128x64xf32, #tpu.memory_space<vmem>> -> memref<1x64xf32, #tpu.memory_space<vmem>>
        %dma_start3A_143 = tpu.memref_squeeze %dma_start3A_142 : memref<1x64xf32, #tpu.memory_space<vmem>> -> memref<64xf32, #tpu.memory_space<vmem>>
        %dma_start3A_144 = arith.constant 0 : i32
        %dma_start3A_145 = tpu.memref_slice %arg6[%squeeze3A_130, %dma_start3A_144] : memref<1000003x64xf32, #tpu.memory_space<hbm>> -> memref<1x64xf32, #tpu.memory_space<hbm>>
        %dma_start3A_146 = tpu.memref_squeeze %dma_start3A_145 : memref<1x64xf32, #tpu.memory_space<hbm>> -> memref<64xf32, #tpu.memory_space<hbm>>
        tpu.enqueue_dma source(%dma_start3A_146 : memref<64xf32, #tpu.memory_space<hbm>>) target(%dma_start3A_143 : memref<64xf32, #tpu.memory_space<vmem>>) target_semaphore(%arg14 : memref<!tpu.dma_semaphore, #tpu.memory_space<semaphore_mem>>)
        %slice3A_147 = vector.extract_strided_slice %get3A_41 {offsets = [6], sizes = [1], strides = [1]} : vector<16xi32> to vector<1xi32>
        %squeeze3A_148 = vector.extract %slice3A_147[0] : i32 from vector<1xi32>
        %mul3A_149 = arith.constant 16 : i32
        %mul3A_150 = arith.muli %scan3A_36, %mul3A_149 : i32
        %add3A_151 = arith.constant 6 : i32
        %add3A_152 = arith.addi %mul3A_150, %add3A_151 : i32
        %dma_start3A_153 = arith.constant 0 : i32
        %dma_start3A_154 = tpu.memref_slice %arg11[%add3A_152, %dma_start3A_153] : memref<128x64xf32, #tpu.memory_space<vmem>> -> memref<1x64xf32, #tpu.memory_space<vmem>>
        %dma_start3A_155 = tpu.memref_squeeze %dma_start3A_154 : memref<1x64xf32, #tpu.memory_space<vmem>> -> memref<64xf32, #tpu.memory_space<vmem>>
        %dma_start3A_156 = arith.constant 0 : i32
        %dma_start3A_157 = tpu.memref_slice %arg6[%squeeze3A_148, %dma_start3A_156] : memref<1000003x64xf32, #tpu.memory_space<hbm>> -> memref<1x64xf32, #tpu.memory_space<hbm>>
        %dma_start3A_158 = tpu.memref_squeeze %dma_start3A_157 : memref<1x64xf32, #tpu.memory_space<hbm>> -> memref<64xf32, #tpu.memory_space<hbm>>
        %dma_start3A_159 = arith.constant 0 : i32
        %dma_start3A_160 = tpu.memref_slice %arg11[%add3A_152, %dma_start3A_159] : memref<128x64xf32, #tpu.memory_space<vmem>> -> memref<1x64xf32, #tpu.memory_space<vmem>>
        %dma_start3A_161 = tpu.memref_squeeze %dma_start3A_160 : memref<1x64xf32, #tpu.memory_space<vmem>> -> memref<64xf32, #tpu.memory_space<vmem>>
        %dma_start3A_162 = arith.constant 0 : i32
        %dma_start3A_163 = tpu.memref_slice %arg6[%squeeze3A_148, %dma_start3A_162] : memref<1000003x64xf32, #tpu.memory_space<hbm>> -> memref<1x64xf32, #tpu.memory_space<hbm>>
        %dma_start3A_164 = tpu.memref_squeeze %dma_start3A_163 : memref<1x64xf32, #tpu.memory_space<hbm>> -> memref<64xf32, #tpu.memory_space<hbm>>
        tpu.enqueue_dma source(%dma_start3A_164 : memref<64xf32, #tpu.memory_space<hbm>>) target(%dma_start3A_161 : memref<64xf32, #tpu.memory_space<vmem>>) target_semaphore(%arg14 : memref<!tpu.dma_semaphore, #tpu.memory_space<semaphore_mem>>)
        %slice3A_165 = vector.extract_strided_slice %get3A_41 {offsets = [7], sizes = [1], strides = [1]} : vector<16xi32> to vector<1xi32>
        %squeeze3A_166 = vector.extract %slice3A_165[0] : i32 from vector<1xi32>
        %mul3A_167 = arith.constant 16 : i32
        %mul3A_168 = arith.muli %scan3A_36, %mul3A_167 : i32
        %add3A_169 = arith.constant 7 : i32
        %add3A_170 = arith.addi %mul3A_168, %add3A_169 : i32
        %dma_start3A_171 = arith.constant 0 : i32
        %dma_start3A_172 = tpu.memref_slice %arg11[%add3A_170, %dma_start3A_171] : memref<128x64xf32, #tpu.memory_space<vmem>> -> memref<1x64xf32, #tpu.memory_space<vmem>>
        %dma_start3A_173 = tpu.memref_squeeze %dma_start3A_172 : memref<1x64xf32, #tpu.memory_space<vmem>> -> memref<64xf32, #tpu.memory_space<vmem>>
        %dma_start3A_174 = arith.constant 0 : i32
        %dma_start3A_175 = tpu.memref_slice %arg6[%squeeze3A_166, %dma_start3A_174] : memref<1000003x64xf32, #tpu.memory_space<hbm>> -> memref<1x64xf32, #tpu.memory_space<hbm>>
        %dma_start3A_176 = tpu.memref_squeeze %dma_start3A_175 : memref<1x64xf32, #tpu.memory_space<hbm>> -> memref<64xf32, #tpu.memory_space<hbm>>
        %dma_start3A_177 = arith.constant 0 : i32
        %dma_start3A_178 = tpu.memref_slice %arg11[%add3A_170, %dma_start3A_177] : memref<128x64xf32, #tpu.memory_space<vmem>> -> memref<1x64xf32, #tpu.memory_space<vmem>>
        %dma_start3A_179 = tpu.memref_squeeze %dma_start3A_178 : memref<1x64xf32, #tpu.memory_space<vmem>> -> memref<64xf32, #tpu.memory_space<vmem>>
        %dma_start3A_180 = arith.constant 0 : i32
        %dma_start3A_181 = tpu.memref_slice %arg6[%squeeze3A_166, %dma_start3A_180] : memref<1000003x64xf32, #tpu.memory_space<hbm>> -> memref<1x64xf32, #tpu.memory_space<hbm>>
        %dma_start3A_182 = tpu.memref_squeeze %dma_start3A_181 : memref<1x64xf32, #tpu.memory_space<hbm>> -> memref<64xf32, #tpu.memory_space<hbm>>
        tpu.enqueue_dma source(%dma_start3A_182 : memref<64xf32, #tpu.memory_space<hbm>>) target(%dma_start3A_179 : memref<64xf32, #tpu.memory_space<vmem>>) target_semaphore(%arg14 : memref<!tpu.dma_semaphore, #tpu.memory_space<semaphore_mem>>)
        %slice3A_183 = vector.extract_strided_slice %get3A_41 {offsets = [8], sizes = [1], strides = [1]} : vector<16xi32> to vector<1xi32>
        %squeeze3A_184 = vector.extract %slice3A_183[0] : i32 from vector<1xi32>
        %mul3A_185 = arith.constant 16 : i32
        %mul3A_186 = arith.muli %scan3A_36, %mul3A_185 : i32
        %add3A_187 = arith.constant 8 : i32
        %add3A_188 = arith.addi %mul3A_186, %add3A_187 : i32
        %dma_start3A_189 = arith.constant 0 : i32
        %dma_start3A_190 = tpu.memref_slice %arg11[%add3A_188, %dma_start3A_189] : memref<128x64xf32, #tpu.memory_space<vmem>> -> memref<1x64xf32, #tpu.memory_space<vmem>>
        %dma_start3A_191 = tpu.memref_squeeze %dma_start3A_190 : memref<1x64xf32, #tpu.memory_space<vmem>> -> memref<64xf32, #tpu.memory_space<vmem>>
        %dma_start3A_192 = arith.constant 0 : i32
        %dma_start3A_193 = tpu.memref_slice %arg6[%squeeze3A_184, %dma_start3A_192] : memref<1000003x64xf32, #tpu.memory_space<hbm>> -> memref<1x64xf32, #tpu.memory_space<hbm>>
        %dma_start3A_194 = tpu.memref_squeeze %dma_start3A_193 : memref<1x64xf32, #tpu.memory_space<hbm>> -> memref<64xf32, #tpu.memory_space<hbm>>
        %dma_start3A_195 = arith.constant 0 : i32
        %dma_start3A_196 = tpu.memref_slice %arg11[%add3A_188, %dma_start3A_195] : memref<128x64xf32, #tpu.memory_space<vmem>> -> memref<1x64xf32, #tpu.memory_space<vmem>>
        %dma_start3A_197 = tpu.memref_squeeze %dma_start3A_196 : memref<1x64xf32, #tpu.memory_space<vmem>> -> memref<64xf32, #tpu.memory_space<vmem>>
        %dma_start3A_198 = arith.constant 0 : i32
        %dma_start3A_199 = tpu.memref_slice %arg6[%squeeze3A_184, %dma_start3A_198] : memref<1000003x64xf32, #tpu.memory_space<hbm>> -> memref<1x64xf32, #tpu.memory_space<hbm>>
        %dma_start3A_200 = tpu.memref_squeeze %dma_start3A_199 : memref<1x64xf32, #tpu.memory_space<hbm>> -> memref<64xf32, #tpu.memory_space<hbm>>
        tpu.enqueue_dma source(%dma_start3A_200 : memref<64xf32, #tpu.memory_space<hbm>>) target(%dma_start3A_197 : memref<64xf32, #tpu.memory_space<vmem>>) target_semaphore(%arg14 : memref<!tpu.dma_semaphore, #tpu.memory_space<semaphore_mem>>)
        %slice3A_201 = vector.extract_strided_slice %get3A_41 {offsets = [9], sizes = [1], strides = [1]} : vector<16xi32> to vector<1xi32>
        %squeeze3A_202 = vector.extract %slice3A_201[0] : i32 from vector<1xi32>
        %mul3A_203 = arith.constant 16 : i32
        %mul3A_204 = arith.muli %scan3A_36, %mul3A_203 : i32
        %add3A_205 = arith.constant 9 : i32
        %add3A_206 = arith.addi %mul3A_204, %add3A_205 : i32
        %dma_start3A_207 = arith.constant 0 : i32
        %dma_start3A_208 = tpu.memref_slice %arg11[%add3A_206, %dma_start3A_207] : memref<128x64xf32, #tpu.memory_space<vmem>> -> memref<1x64xf32, #tpu.memory_space<vmem>>
        %dma_start3A_209 = tpu.memref_squeeze %dma_start3A_208 : memref<1x64xf32, #tpu.memory_space<vmem>> -> memref<64xf32, #tpu.memory_space<vmem>>
        %dma_start3A_210 = arith.constant 0 : i32
        %dma_start3A_211 = tpu.memref_slice %arg6[%squeeze3A_202, %dma_start3A_210] : memref<1000003x64xf32, #tpu.memory_space<hbm>> -> memref<1x64xf32, #tpu.memory_space<hbm>>
        %dma_start3A_212 = tpu.memref_squeeze %dma_start3A_211 : memref<1x64xf32, #tpu.memory_space<hbm>> -> memref<64xf32, #tpu.memory_space<hbm>>
        %dma_start3A_213 = arith.constant 0 : i32
        %dma_start3A_214 = tpu.memref_slice %arg11[%add3A_206, %dma_start3A_213] : memref<128x64xf32, #tpu.memory_space<vmem>> -> memref<1x64xf32, #tpu.memory_space<vmem>>
        %dma_start3A_215 = tpu.memref_squeeze %dma_start3A_214 : memref<1x64xf32, #tpu.memory_space<vmem>> -> memref<64xf32, #tpu.memory_space<vmem>>
        %dma_start3A_216 = arith.constant 0 : i32
        %dma_start3A_217 = tpu.memref_slice %arg6[%squeeze3A_202, %dma_start3A_216] : memref<1000003x64xf32, #tpu.memory_space<hbm>> -> memref<1x64xf32, #tpu.memory_space<hbm>>
        %dma_start3A_218 = tpu.memref_squeeze %dma_start3A_217 : memref<1x64xf32, #tpu.memory_space<hbm>> -> memref<64xf32, #tpu.memory_space<hbm>>
        tpu.enqueue_dma source(%dma_start3A_218 : memref<64xf32, #tpu.memory_space<hbm>>) target(%dma_start3A_215 : memref<64xf32, #tpu.memory_space<vmem>>) target_semaphore(%arg14 : memref<!tpu.dma_semaphore, #tpu.memory_space<semaphore_mem>>)
        %slice3A_219 = vector.extract_strided_slice %get3A_41 {offsets = [10], sizes = [1], strides = [1]} : vector<16xi32> to vector<1xi32>
        %squeeze3A_220 = vector.extract %slice3A_219[0] : i32 from vector<1xi32>
        %mul3A_221 = arith.constant 16 : i32
        %mul3A_222 = arith.muli %scan3A_36, %mul3A_221 : i32
        %add3A_223 = arith.constant 10 : i32
        %add3A_224 = arith.addi %mul3A_222, %add3A_223 : i32
        %dma_start3A_225 = arith.constant 0 : i32
        %dma_start3A_226 = tpu.memref_slice %arg11[%add3A_224, %dma_start3A_225] : memref<128x64xf32, #tpu.memory_space<vmem>> -> memref<1x64xf32, #tpu.memory_space<vmem>>
        %dma_start3A_227 = tpu.memref_squeeze %dma_start3A_226 : memref<1x64xf32, #tpu.memory_space<vmem>> -> memref<64xf32, #tpu.memory_space<vmem>>
        %dma_start3A_228 = arith.constant 0 : i32
        %dma_start3A_229 = tpu.memref_slice %arg6[%squeeze3A_220, %dma_start3A_228] : memref<1000003x64xf32, #tpu.memory_space<hbm>> -> memref<1x64xf32, #tpu.memory_space<hbm>>
        %dma_start3A_230 = tpu.memref_squeeze %dma_start3A_229 : memref<1x64xf32, #tpu.memory_space<hbm>> -> memref<64xf32, #tpu.memory_space<hbm>>
        %dma_start3A_231 = arith.constant 0 : i32
        %dma_start3A_232 = tpu.memref_slice %arg11[%add3A_224, %dma_start3A_231] : memref<128x64xf32, #tpu.memory_space<vmem>> -> memref<1x64xf32, #tpu.memory_space<vmem>>
        %dma_start3A_233 = tpu.memref_squeeze %dma_start3A_232 : memref<1x64xf32, #tpu.memory_space<vmem>> -> memref<64xf32, #tpu.memory_space<vmem>>
        %dma_start3A_234 = arith.constant 0 : i32
        %dma_start3A_235 = tpu.memref_slice %arg6[%squeeze3A_220, %dma_start3A_234] : memref<1000003x64xf32, #tpu.memory_space<hbm>> -> memref<1x64xf32, #tpu.memory_space<hbm>>
        %dma_start3A_236 = tpu.memref_squeeze %dma_start3A_235 : memref<1x64xf32, #tpu.memory_space<hbm>> -> memref<64xf32, #tpu.memory_space<hbm>>
        tpu.enqueue_dma source(%dma_start3A_236 : memref<64xf32, #tpu.memory_space<hbm>>) target(%dma_start3A_233 : memref<64xf32, #tpu.memory_space<vmem>>) target_semaphore(%arg14 : memref<!tpu.dma_semaphore, #tpu.memory_space<semaphore_mem>>)
        %slice3A_237 = vector.extract_strided_slice %get3A_41 {offsets = [11], sizes = [1], strides = [1]} : vector<16xi32> to vector<1xi32>
        %squeeze3A_238 = vector.extract %slice3A_237[0] : i32 from vector<1xi32>
        %mul3A_239 = arith.constant 16 : i32
        %mul3A_240 = arith.muli %scan3A_36, %mul3A_239 : i32
        %add3A_241 = arith.constant 11 : i32
        %add3A_242 = arith.addi %mul3A_240, %add3A_241 : i32
        %dma_start3A_243 = arith.constant 0 : i32
        %dma_start3A_244 = tpu.memref_slice %arg11[%add3A_242, %dma_start3A_243] : memref<128x64xf32, #tpu.memory_space<vmem>> -> memref<1x64xf32, #tpu.memory_space<vmem>>
        %dma_start3A_245 = tpu.memref_squeeze %dma_start3A_244 : memref<1x64xf32, #tpu.memory_space<vmem>> -> memref<64xf32, #tpu.memory_space<vmem>>
        %dma_start3A_246 = arith.constant 0 : i32
        %dma_start3A_247 = tpu.memref_slice %arg6[%squeeze3A_238, %dma_start3A_246] : memref<1000003x64xf32, #tpu.memory_space<hbm>> -> memref<1x64xf32, #tpu.memory_space<hbm>>
        %dma_start3A_248 = tpu.memref_squeeze %dma_start3A_247 : memref<1x64xf32, #tpu.memory_space<hbm>> -> memref<64xf32, #tpu.memory_space<hbm>>
        %dma_start3A_249 = arith.constant 0 : i32
        %dma_start3A_250 = tpu.memref_slice %arg11[%add3A_242, %dma_start3A_249] : memref<128x64xf32, #tpu.memory_space<vmem>> -> memref<1x64xf32, #tpu.memory_space<vmem>>
        %dma_start3A_251 = tpu.memref_squeeze %dma_start3A_250 : memref<1x64xf32, #tpu.memory_space<vmem>> -> memref<64xf32, #tpu.memory_space<vmem>>
        %dma_start3A_252 = arith.constant 0 : i32
        %dma_start3A_253 = tpu.memref_slice %arg6[%squeeze3A_238, %dma_start3A_252] : memref<1000003x64xf32, #tpu.memory_space<hbm>> -> memref<1x64xf32, #tpu.memory_space<hbm>>
        %dma_start3A_254 = tpu.memref_squeeze %dma_start3A_253 : memref<1x64xf32, #tpu.memory_space<hbm>> -> memref<64xf32, #tpu.memory_space<hbm>>
        tpu.enqueue_dma source(%dma_start3A_254 : memref<64xf32, #tpu.memory_space<hbm>>) target(%dma_start3A_251 : memref<64xf32, #tpu.memory_space<vmem>>) target_semaphore(%arg14 : memref<!tpu.dma_semaphore, #tpu.memory_space<semaphore_mem>>)
        %slice3A_255 = vector.extract_strided_slice %get3A_41 {offsets = [12], sizes = [1], strides = [1]} : vector<16xi32> to vector<1xi32>
        %squeeze3A_256 = vector.extract %slice3A_255[0] : i32 from vector<1xi32>
        %mul3A_257 = arith.constant 16 : i32
        %mul3A_258 = arith.muli %scan3A_36, %mul3A_257 : i32
        %add3A_259 = arith.constant 12 : i32
        %add3A_260 = arith.addi %mul3A_258, %add3A_259 : i32
        %dma_start3A_261 = arith.constant 0 : i32
        %dma_start3A_262 = tpu.memref_slice %arg11[%add3A_260, %dma_start3A_261] : memref<128x64xf32, #tpu.memory_space<vmem>> -> memref<1x64xf32, #tpu.memory_space<vmem>>
        %dma_start3A_263 = tpu.memref_squeeze %dma_start3A_262 : memref<1x64xf32, #tpu.memory_space<vmem>> -> memref<64xf32, #tpu.memory_space<vmem>>
        %dma_start3A_264 = arith.constant 0 : i32
        %dma_start3A_265 = tpu.memref_slice %arg6[%squeeze3A_256, %dma_start3A_264] : memref<1000003x64xf32, #tpu.memory_space<hbm>> -> memref<1x64xf32, #tpu.memory_space<hbm>>
        %dma_start3A_266 = tpu.memref_squeeze %dma_start3A_265 : memref<1x64xf32, #tpu.memory_space<hbm>> -> memref<64xf32, #tpu.memory_space<hbm>>
        %dma_start3A_267 = arith.constant 0 : i32
        %dma_start3A_268 = tpu.memref_slice %arg11[%add3A_260, %dma_start3A_267] : memref<128x64xf32, #tpu.memory_space<vmem>> -> memref<1x64xf32, #tpu.memory_space<vmem>>
        %dma_start3A_269 = tpu.memref_squeeze %dma_start3A_268 : memref<1x64xf32, #tpu.memory_space<vmem>> -> memref<64xf32, #tpu.memory_space<vmem>>
        %dma_start3A_270 = arith.constant 0 : i32
        %dma_start3A_271 = tpu.memref_slice %arg6[%squeeze3A_256, %dma_start3A_270] : memref<1000003x64xf32, #tpu.memory_space<hbm>> -> memref<1x64xf32, #tpu.memory_space<hbm>>
        %dma_start3A_272 = tpu.memref_squeeze %dma_start3A_271 : memref<1x64xf32, #tpu.memory_space<hbm>> -> memref<64xf32, #tpu.memory_space<hbm>>
        tpu.enqueue_dma source(%dma_start3A_272 : memref<64xf32, #tpu.memory_space<hbm>>) target(%dma_start3A_269 : memref<64xf32, #tpu.memory_space<vmem>>) target_semaphore(%arg14 : memref<!tpu.dma_semaphore, #tpu.memory_space<semaphore_mem>>)
        %slice3A_273 = vector.extract_strided_slice %get3A_41 {offsets = [13], sizes = [1], strides = [1]} : vector<16xi32> to vector<1xi32>
        %squeeze3A_274 = vector.extract %slice3A_273[0] : i32 from vector<1xi32>
        %mul3A_275 = arith.constant 16 : i32
        %mul3A_276 = arith.muli %scan3A_36, %mul3A_275 : i32
        %add3A_277 = arith.constant 13 : i32
        %add3A_278 = arith.addi %mul3A_276, %add3A_277 : i32
        %dma_start3A_279 = arith.constant 0 : i32
        %dma_start3A_280 = tpu.memref_slice %arg11[%add3A_278, %dma_start3A_279] : memref<128x64xf32, #tpu.memory_space<vmem>> -> memref<1x64xf32, #tpu.memory_space<vmem>>
        %dma_start3A_281 = tpu.memref_squeeze %dma_start3A_280 : memref<1x64xf32, #tpu.memory_space<vmem>> -> memref<64xf32, #tpu.memory_space<vmem>>
        %dma_start3A_282 = arith.constant 0 : i32
        %dma_start3A_283 = tpu.memref_slice %arg6[%squeeze3A_274, %dma_start3A_282] : memref<1000003x64xf32, #tpu.memory_space<hbm>> -> memref<1x64xf32, #tpu.memory_space<hbm>>
        %dma_start3A_284 = tpu.memref_squeeze %dma_start3A_283 : memref<1x64xf32, #tpu.memory_space<hbm>> -> memref<64xf32, #tpu.memory_space<hbm>>
        %dma_start3A_285 = arith.constant 0 : i32
        %dma_start3A_286 = tpu.memref_slice %arg11[%add3A_278, %dma_start3A_285] : memref<128x64xf32, #tpu.memory_space<vmem>> -> memref<1x64xf32, #tpu.memory_space<vmem>>
        %dma_start3A_287 = tpu.memref_squeeze %dma_start3A_286 : memref<1x64xf32, #tpu.memory_space<vmem>> -> memref<64xf32, #tpu.memory_space<vmem>>
        %dma_start3A_288 = arith.constant 0 : i32
        %dma_start3A_289 = tpu.memref_slice %arg6[%squeeze3A_274, %dma_start3A_288] : memref<1000003x64xf32, #tpu.memory_space<hbm>> -> memref<1x64xf32, #tpu.memory_space<hbm>>
        %dma_start3A_290 = tpu.memref_squeeze %dma_start3A_289 : memref<1x64xf32, #tpu.memory_space<hbm>> -> memref<64xf32, #tpu.memory_space<hbm>>
        tpu.enqueue_dma source(%dma_start3A_290 : memref<64xf32, #tpu.memory_space<hbm>>) target(%dma_start3A_287 : memref<64xf32, #tpu.memory_space<vmem>>) target_semaphore(%arg14 : memref<!tpu.dma_semaphore, #tpu.memory_space<semaphore_mem>>)
        %slice3A_291 = vector.extract_strided_slice %get3A_41 {offsets = [14], sizes = [1], strides = [1]} : vector<16xi32> to vector<1xi32>
        %squeeze3A_292 = vector.extract %slice3A_291[0] : i32 from vector<1xi32>
        %mul3A_293 = arith.constant 16 : i32
        %mul3A_294 = arith.muli %scan3A_36, %mul3A_293 : i32
        %add3A_295 = arith.constant 14 : i32
        %add3A_296 = arith.addi %mul3A_294, %add3A_295 : i32
        %dma_start3A_297 = arith.constant 0 : i32
        %dma_start3A_298 = tpu.memref_slice %arg11[%add3A_296, %dma_start3A_297] : memref<128x64xf32, #tpu.memory_space<vmem>> -> memref<1x64xf32, #tpu.memory_space<vmem>>
        %dma_start3A_299 = tpu.memref_squeeze %dma_start3A_298 : memref<1x64xf32, #tpu.memory_space<vmem>> -> memref<64xf32, #tpu.memory_space<vmem>>
        %dma_start3A_300 = arith.constant 0 : i32
        %dma_start3A_301 = tpu.memref_slice %arg6[%squeeze3A_292, %dma_start3A_300] : memref<1000003x64xf32, #tpu.memory_space<hbm>> -> memref<1x64xf32, #tpu.memory_space<hbm>>
        %dma_start3A_302 = tpu.memref_squeeze %dma_start3A_301 : memref<1x64xf32, #tpu.memory_space<hbm>> -> memref<64xf32, #tpu.memory_space<hbm>>
        %dma_start3A_303 = arith.constant 0 : i32
        %dma_start3A_304 = tpu.memref_slice %arg11[%add3A_296, %dma_start3A_303] : memref<128x64xf32, #tpu.memory_space<vmem>> -> memref<1x64xf32, #tpu.memory_space<vmem>>
        %dma_start3A_305 = tpu.memref_squeeze %dma_start3A_304 : memref<1x64xf32, #tpu.memory_space<vmem>> -> memref<64xf32, #tpu.memory_space<vmem>>
        %dma_start3A_306 = arith.constant 0 : i32
        %dma_start3A_307 = tpu.memref_slice %arg6[%squeeze3A_292, %dma_start3A_306] : memref<1000003x64xf32, #tpu.memory_space<hbm>> -> memref<1x64xf32, #tpu.memory_space<hbm>>
        %dma_start3A_308 = tpu.memref_squeeze %dma_start3A_307 : memref<1x64xf32, #tpu.memory_space<hbm>> -> memref<64xf32, #tpu.memory_space<hbm>>
        tpu.enqueue_dma source(%dma_start3A_308 : memref<64xf32, #tpu.memory_space<hbm>>) target(%dma_start3A_305 : memref<64xf32, #tpu.memory_space<vmem>>) target_semaphore(%arg14 : memref<!tpu.dma_semaphore, #tpu.memory_space<semaphore_mem>>)
        %slice3A_309 = vector.extract_strided_slice %get3A_41 {offsets = [15], sizes = [1], strides = [1]} : vector<16xi32> to vector<1xi32>
        %squeeze3A_310 = vector.extract %slice3A_309[0] : i32 from vector<1xi32>
        %mul3A_311 = arith.constant 16 : i32
        %mul3A_312 = arith.muli %scan3A_36, %mul3A_311 : i32
        %add3A_313 = arith.constant 15 : i32
        %add3A_314 = arith.addi %mul3A_312, %add3A_313 : i32
        %dma_start3A_315 = arith.constant 0 : i32
        %dma_start3A_316 = tpu.memref_slice %arg11[%add3A_314, %dma_start3A_315] : memref<128x64xf32, #tpu.memory_space<vmem>> -> memref<1x64xf32, #tpu.memory_space<vmem>>
        %dma_start3A_317 = tpu.memref_squeeze %dma_start3A_316 : memref<1x64xf32, #tpu.memory_space<vmem>> -> memref<64xf32, #tpu.memory_space<vmem>>
        %dma_start3A_318 = arith.constant 0 : i32
        %dma_start3A_319 = tpu.memref_slice %arg6[%squeeze3A_310, %dma_start3A_318] : memref<1000003x64xf32, #tpu.memory_space<hbm>> -> memref<1x64xf32, #tpu.memory_space<hbm>>
        %dma_start3A_320 = tpu.memref_squeeze %dma_start3A_319 : memref<1x64xf32, #tpu.memory_space<hbm>> -> memref<64xf32, #tpu.memory_space<hbm>>
        %dma_start3A_321 = arith.constant 0 : i32
        %dma_start3A_322 = tpu.memref_slice %arg11[%add3A_314, %dma_start3A_321] : memref<128x64xf32, #tpu.memory_space<vmem>> -> memref<1x64xf32, #tpu.memory_space<vmem>>
        %dma_start3A_323 = tpu.memref_squeeze %dma_start3A_322 : memref<1x64xf32, #tpu.memory_space<vmem>> -> memref<64xf32, #tpu.memory_space<vmem>>
        %dma_start3A_324 = arith.constant 0 : i32
        %dma_start3A_325 = tpu.memref_slice %arg6[%squeeze3A_310, %dma_start3A_324] : memref<1000003x64xf32, #tpu.memory_space<hbm>> -> memref<1x64xf32, #tpu.memory_space<hbm>>
        %dma_start3A_326 = tpu.memref_squeeze %dma_start3A_325 : memref<1x64xf32, #tpu.memory_space<hbm>> -> memref<64xf32, #tpu.memory_space<hbm>>
        tpu.enqueue_dma source(%dma_start3A_326 : memref<64xf32, #tpu.memory_space<hbm>>) target(%dma_start3A_323 : memref<64xf32, #tpu.memory_space<vmem>>) target_semaphore(%arg14 : memref<!tpu.dma_semaphore, #tpu.memory_space<semaphore_mem>>)
        %get3A_327 = arith.index_cast %add3A_40 : i32 to index
        %get3A_328 = tpu.vector_load %arg9[%get3A_327] {strides = array<i32>} : memref<512xi32, #tpu.memory_space<vmem>>, vector<16xi32>,
        %slice3A_329 = vector.extract_strided_slice %get3A_328 {offsets = [0], sizes = [1], strides = [1]} : vector<16xi32> to vector<1xi32>
        %squeeze3A_330 = vector.extract %slice3A_329[0] : i32 from vector<1xi32>
        %mul3A_331 = arith.constant 16 : i32
        %mul3A_332 = arith.muli %scan3A_36, %mul3A_331 : i32
        %add3A_333 = arith.constant 0 : i32
        %add3A_334 = arith.addi %mul3A_332, %add3A_333 : i32
        %dma_start3A_335 = arith.constant 0 : i32
        %dma_start3A_336 = tpu.memref_slice %arg12[%add3A_334, %dma_start3A_335] : memref<128x64xf32, #tpu.memory_space<vmem>> -> memref<1x64xf32, #tpu.memory_space<vmem>>
        %dma_start3A_337 = tpu.memref_squeeze %dma_start3A_336 : memref<1x64xf32, #tpu.memory_space<vmem>> -> memref<64xf32, #tpu.memory_space<vmem>>
        %dma_start3A_338 = arith.constant 0 : i32
        %dma_start3A_339 = tpu.memref_slice %arg5[%squeeze3A_330, %dma_start3A_338] : memref<1000001x64xf32, #tpu.memory_space<hbm>> -> memref<1x64xf32, #tpu.memory_space<hbm>>
        %dma_start3A_340 = tpu.memref_squeeze %dma_start3A_339 : memref<1x64xf32, #tpu.memory_space<hbm>> -> memref<64xf32, #tpu.memory_space<hbm>>
        %dma_start3A_341 = arith.constant 0 : i32
        %dma_start3A_342 = tpu.memref_slice %arg12[%add3A_334, %dma_start3A_341] : memref<128x64xf32, #tpu.memory_space<vmem>> -> memref<1x64xf32, #tpu.memory_space<vmem>>
        %dma_start3A_343 = tpu.memref_squeeze %dma_start3A_342 : memref<1x64xf32, #tpu.memory_space<vmem>> -> memref<64xf32, #tpu.memory_space<vmem>>
        %dma_start3A_344 = arith.constant 0 : i32
        %dma_start3A_345 = tpu.memref_slice %arg5[%squeeze3A_330, %dma_start3A_344] : memref<1000001x64xf32, #tpu.memory_space<hbm>> -> memref<1x64xf32, #tpu.memory_space<hbm>>
        %dma_start3A_346 = tpu.memref_squeeze %dma_start3A_345 : memref<1x64xf32, #tpu.memory_space<hbm>> -> memref<64xf32, #tpu.memory_space<hbm>>
        tpu.enqueue_dma source(%dma_start3A_346 : memref<64xf32, #tpu.memory_space<hbm>>) target(%dma_start3A_343 : memref<64xf32, #tpu.memory_space<vmem>>) target_semaphore(%arg14 : memref<!tpu.dma_semaphore, #tpu.memory_space<semaphore_mem>>)
        %slice3A_347 = vector.extract_strided_slice %get3A_328 {offsets = [1], sizes = [1], strides = [1]} : vector<16xi32> to vector<1xi32>
        %squeeze3A_348 = vector.extract %slice3A_347[0] : i32 from vector<1xi32>
        %mul3A_349 = arith.constant 16 : i32
        %mul3A_350 = arith.muli %scan3A_36, %mul3A_349 : i32
        %add3A_351 = arith.constant 1 : i32
        %add3A_352 = arith.addi %mul3A_350, %add3A_351 : i32
        %dma_start3A_353 = arith.constant 0 : i32
        %dma_start3A_354 = tpu.memref_slice %arg12[%add3A_352, %dma_start3A_353] : memref<128x64xf32, #tpu.memory_space<vmem>> -> memref<1x64xf32, #tpu.memory_space<vmem>>
        %dma_start3A_355 = tpu.memref_squeeze %dma_start3A_354 : memref<1x64xf32, #tpu.memory_space<vmem>> -> memref<64xf32, #tpu.memory_space<vmem>>
        %dma_start3A_356 = arith.constant 0 : i32
        %dma_start3A_357 = tpu.memref_slice %arg5[%squeeze3A_348, %dma_start3A_356] : memref<1000001x64xf32, #tpu.memory_space<hbm>> -> memref<1x64xf32, #tpu.memory_space<hbm>>
        %dma_start3A_358 = tpu.memref_squeeze %dma_start3A_357 : memref<1x64xf32, #tpu.memory_space<hbm>> -> memref<64xf32, #tpu.memory_space<hbm>>
        %dma_start3A_359 = arith.constant 0 : i32
        %dma_start3A_360 = tpu.memref_slice %arg12[%add3A_352, %dma_start3A_359] : memref<128x64xf32, #tpu.memory_space<vmem>> -> memref<1x64xf32, #tpu.memory_space<vmem>>
        %dma_start3A_361 = tpu.memref_squeeze %dma_start3A_360 : memref<1x64xf32, #tpu.memory_space<vmem>> -> memref<64xf32, #tpu.memory_space<vmem>>
        %dma_start3A_362 = arith.constant 0 : i32
        %dma_start3A_363 = tpu.memref_slice %arg5[%squeeze3A_348, %dma_start3A_362] : memref<1000001x64xf32, #tpu.memory_space<hbm>> -> memref<1x64xf32, #tpu.memory_space<hbm>>
        %dma_start3A_364 = tpu.memref_squeeze %dma_start3A_363 : memref<1x64xf32, #tpu.memory_space<hbm>> -> memref<64xf32, #tpu.memory_space<hbm>>
        tpu.enqueue_dma source(%dma_start3A_364 : memref<64xf32, #tpu.memory_space<hbm>>) target(%dma_start3A_361 : memref<64xf32, #tpu.memory_space<vmem>>) target_semaphore(%arg14 : memref<!tpu.dma_semaphore, #tpu.memory_space<semaphore_mem>>)
        %slice3A_365 = vector.extract_strided_slice %get3A_328 {offsets = [2], sizes = [1], strides = [1]} : vector<16xi32> to vector<1xi32>
        %squeeze3A_366 = vector.extract %slice3A_365[0] : i32 from vector<1xi32>
        %mul3A_367 = arith.constant 16 : i32
        %mul3A_368 = arith.muli %scan3A_36, %mul3A_367 : i32
        %add3A_369 = arith.constant 2 : i32
        %add3A_370 = arith.addi %mul3A_368, %add3A_369 : i32
        %dma_start3A_371 = arith.constant 0 : i32
        %dma_start3A_372 = tpu.memref_slice %arg12[%add3A_370, %dma_start3A_371] : memref<128x64xf32, #tpu.memory_space<vmem>> -> memref<1x64xf32, #tpu.memory_space<vmem>>
        %dma_start3A_373 = tpu.memref_squeeze %dma_start3A_372 : memref<1x64xf32, #tpu.memory_space<vmem>> -> memref<64xf32, #tpu.memory_space<vmem>>
        %dma_start3A_374 = arith.constant 0 : i32
        %dma_start3A_375 = tpu.memref_slice %arg5[%squeeze3A_366, %dma_start3A_374] : memref<1000001x64xf32, #tpu.memory_space<hbm>> -> memref<1x64xf32, #tpu.memory_space<hbm>>
        %dma_start3A_376 = tpu.memref_squeeze %dma_start3A_375 : memref<1x64xf32, #tpu.memory_space<hbm>> -> memref<64xf32, #tpu.memory_space<hbm>>
        %dma_start3A_377 = arith.constant 0 : i32
        %dma_start3A_378 = tpu.memref_slice %arg12[%add3A_370, %dma_start3A_377] : memref<128x64xf32, #tpu.memory_space<vmem>> -> memref<1x64xf32, #tpu.memory_space<vmem>>
        %dma_start3A_379 = tpu.memref_squeeze %dma_start3A_378 : memref<1x64xf32, #tpu.memory_space<vmem>> -> memref<64xf32, #tpu.memory_space<vmem>>
        %dma_start3A_380 = arith.constant 0 : i32
        %dma_start3A_381 = tpu.memref_slice %arg5[%squeeze3A_366, %dma_start3A_380] : memref<1000001x64xf32, #tpu.memory_space<hbm>> -> memref<1x64xf32, #tpu.memory_space<hbm>>
        %dma_start3A_382 = tpu.memref_squeeze %dma_start3A_381 : memref<1x64xf32, #tpu.memory_space<hbm>> -> memref<64xf32, #tpu.memory_space<hbm>>
        tpu.enqueue_dma source(%dma_start3A_382 : memref<64xf32, #tpu.memory_space<hbm>>) target(%dma_start3A_379 : memref<64xf32, #tpu.memory_space<vmem>>) target_semaphore(%arg14 : memref<!tpu.dma_semaphore, #tpu.memory_space<semaphore_mem>>)
        %slice3A_383 = vector.extract_strided_slice %get3A_328 {offsets = [3], sizes = [1], strides = [1]} : vector<16xi32> to vector<1xi32>
        %squeeze3A_384 = vector.extract %slice3A_383[0] : i32 from vector<1xi32>
        %mul3A_385 = arith.constant 16 : i32
        %mul3A_386 = arith.muli %scan3A_36, %mul3A_385 : i32
        %add3A_387 = arith.constant 3 : i32
        %add3A_388 = arith.addi %mul3A_386, %add3A_387 : i32
        %dma_start3A_389 = arith.constant 0 : i32
        %dma_start3A_390 = tpu.memref_slice %arg12[%add3A_388, %dma_start3A_389] : memref<128x64xf32, #tpu.memory_space<vmem>> -> memref<1x64xf32, #tpu.memory_space<vmem>>
        %dma_start3A_391 = tpu.memref_squeeze %dma_start3A_390 : memref<1x64xf32, #tpu.memory_space<vmem>> -> memref<64xf32, #tpu.memory_space<vmem>>
        %dma_start3A_392 = arith.constant 0 : i32
        %dma_start3A_393 = tpu.memref_slice %arg5[%squeeze3A_384, %dma_start3A_392] : memref<1000001x64xf32, #tpu.memory_space<hbm>> -> memref<1x64xf32, #tpu.memory_space<hbm>>
        %dma_start3A_394 = tpu.memref_squeeze %dma_start3A_393 : memref<1x64xf32, #tpu.memory_space<hbm>> -> memref<64xf32, #tpu.memory_space<hbm>>
        %dma_start3A_395 = arith.constant 0 : i32
        %dma_start3A_396 = tpu.memref_slice %arg12[%add3A_388, %dma_start3A_395] : memref<128x64xf32, #tpu.memory_space<vmem>> -> memref<1x64xf32, #tpu.memory_space<vmem>>
        %dma_start3A_397 = tpu.memref_squeeze %dma_start3A_396 : memref<1x64xf32, #tpu.memory_space<vmem>> -> memref<64xf32, #tpu.memory_space<vmem>>
        %dma_start3A_398 = arith.constant 0 : i32
        %dma_start3A_399 = tpu.memref_slice %arg5[%squeeze3A_384, %dma_start3A_398] : memref<1000001x64xf32, #tpu.memory_space<hbm>> -> memref<1x64xf32, #tpu.memory_space<hbm>>
        %dma_start3A_400 = tpu.memref_squeeze %dma_start3A_399 : memref<1x64xf32, #tpu.memory_space<hbm>> -> memref<64xf32, #tpu.memory_space<hbm>>
        tpu.enqueue_dma source(%dma_start3A_400 : memref<64xf32, #tpu.memory_space<hbm>>) target(%dma_start3A_397 : memref<64xf32, #tpu.memory_space<vmem>>) target_semaphore(%arg14 : memref<!tpu.dma_semaphore, #tpu.memory_space<semaphore_mem>>)
        %slice3A_401 = vector.extract_strided_slice %get3A_328 {offsets = [4], sizes = [1], strides = [1]} : vector<16xi32> to vector<1xi32>
        %squeeze3A_402 = vector.extract %slice3A_401[0] : i32 from vector<1xi32>
        %mul3A_403 = arith.constant 16 : i32
        %mul3A_404 = arith.muli %scan3A_36, %mul3A_403 : i32
        %add3A_405 = arith.constant 4 : i32
        %add3A_406 = arith.addi %mul3A_404, %add3A_405 : i32
        %dma_start3A_407 = arith.constant 0 : i32
        %dma_start3A_408 = tpu.memref_slice %arg12[%add3A_406, %dma_start3A_407] : memref<128x64xf32, #tpu.memory_space<vmem>> -> memref<1x64xf32, #tpu.memory_space<vmem>>
        %dma_start3A_409 = tpu.memref_squeeze %dma_start3A_408 : memref<1x64xf32, #tpu.memory_space<vmem>> -> memref<64xf32, #tpu.memory_space<vmem>>
        %dma_start3A_410 = arith.constant 0 : i32
        %dma_start3A_411 = tpu.memref_slice %arg5[%squeeze3A_402, %dma_start3A_410] : memref<1000001x64xf32, #tpu.memory_space<hbm>> -> memref<1x64xf32, #tpu.memory_space<hbm>>
        %dma_start3A_412 = tpu.memref_squeeze %dma_start3A_411 : memref<1x64xf32, #tpu.memory_space<hbm>> -> memref<64xf32, #tpu.memory_space<hbm>>
        %dma_start3A_413 = arith.constant 0 : i32
        %dma_start3A_414 = tpu.memref_slice %arg12[%add3A_406, %dma_start3A_413] : memref<128x64xf32, #tpu.memory_space<vmem>> -> memref<1x64xf32, #tpu.memory_space<vmem>>
        %dma_start3A_415 = tpu.memref_squeeze %dma_start3A_414 : memref<1x64xf32, #tpu.memory_space<vmem>> -> memref<64xf32, #tpu.memory_space<vmem>>
        %dma_start3A_416 = arith.constant 0 : i32
        %dma_start3A_417 = tpu.memref_slice %arg5[%squeeze3A_402, %dma_start3A_416] : memref<1000001x64xf32, #tpu.memory_space<hbm>> -> memref<1x64xf32, #tpu.memory_space<hbm>>
        %dma_start3A_418 = tpu.memref_squeeze %dma_start3A_417 : memref<1x64xf32, #tpu.memory_space<hbm>> -> memref<64xf32, #tpu.memory_space<hbm>>
        tpu.enqueue_dma source(%dma_start3A_418 : memref<64xf32, #tpu.memory_space<hbm>>) target(%dma_start3A_415 : memref<64xf32, #tpu.memory_space<vmem>>) target_semaphore(%arg14 : memref<!tpu.dma_semaphore, #tpu.memory_space<semaphore_mem>>)
        %slice3A_419 = vector.extract_strided_slice %get3A_328 {offsets = [5], sizes = [1], strides = [1]} : vector<16xi32> to vector<1xi32>
        %squeeze3A_420 = vector.extract %slice3A_419[0] : i32 from vector<1xi32>
        %mul3A_421 = arith.constant 16 : i32
        %mul3A_422 = arith.muli %scan3A_36, %mul3A_421 : i32
        %add3A_423 = arith.constant 5 : i32
        %add3A_424 = arith.addi %mul3A_422, %add3A_423 : i32
        %dma_start3A_425 = arith.constant 0 : i32
        %dma_start3A_426 = tpu.memref_slice %arg12[%add3A_424, %dma_start3A_425] : memref<128x64xf32, #tpu.memory_space<vmem>> -> memref<1x64xf32, #tpu.memory_space<vmem>>
        %dma_start3A_427 = tpu.memref_squeeze %dma_start3A_426 : memref<1x64xf32, #tpu.memory_space<vmem>> -> memref<64xf32, #tpu.memory_space<vmem>>
        %dma_start3A_428 = arith.constant 0 : i32
        %dma_start3A_429 = tpu.memref_slice %arg5[%squeeze3A_420, %dma_start3A_428] : memref<1000001x64xf32, #tpu.memory_space<hbm>> -> memref<1x64xf32, #tpu.memory_space<hbm>>
        %dma_start3A_430 = tpu.memref_squeeze %dma_start3A_429 : memref<1x64xf32, #tpu.memory_space<hbm>> -> memref<64xf32, #tpu.memory_space<hbm>>
        %dma_start3A_431 = arith.constant 0 : i32
        %dma_start3A_432 = tpu.memref_slice %arg12[%add3A_424, %dma_start3A_431] : memref<128x64xf32, #tpu.memory_space<vmem>> -> memref<1x64xf32, #tpu.memory_space<vmem>>
        %dma_start3A_433 = tpu.memref_squeeze %dma_start3A_432 : memref<1x64xf32, #tpu.memory_space<vmem>> -> memref<64xf32, #tpu.memory_space<vmem>>
        %dma_start3A_434 = arith.constant 0 : i32
        %dma_start3A_435 = tpu.memref_slice %arg5[%squeeze3A_420, %dma_start3A_434] : memref<1000001x64xf32, #tpu.memory_space<hbm>> -> memref<1x64xf32, #tpu.memory_space<hbm>>
        %dma_start3A_436 = tpu.memref_squeeze %dma_start3A_435 : memref<1x64xf32, #tpu.memory_space<hbm>> -> memref<64xf32, #tpu.memory_space<hbm>>
        tpu.enqueue_dma source(%dma_start3A_436 : memref<64xf32, #tpu.memory_space<hbm>>) target(%dma_start3A_433 : memref<64xf32, #tpu.memory_space<vmem>>) target_semaphore(%arg14 : memref<!tpu.dma_semaphore, #tpu.memory_space<semaphore_mem>>)
        %slice3A_437 = vector.extract_strided_slice %get3A_328 {offsets = [6], sizes = [1], strides = [1]} : vector<16xi32> to vector<1xi32>
        %squeeze3A_438 = vector.extract %slice3A_437[0] : i32 from vector<1xi32>
        %mul3A_439 = arith.constant 16 : i32
        %mul3A_440 = arith.muli %scan3A_36, %mul3A_439 : i32
        %add3A_441 = arith.constant 6 : i32
        %add3A_442 = arith.addi %mul3A_440, %add3A_441 : i32
        %dma_start3A_443 = arith.constant 0 : i32
        %dma_start3A_444 = tpu.memref_slice %arg12[%add3A_442, %dma_start3A_443] : memref<128x64xf32, #tpu.memory_space<vmem>> -> memref<1x64xf32, #tpu.memory_space<vmem>>
        %dma_start3A_445 = tpu.memref_squeeze %dma_start3A_444 : memref<1x64xf32, #tpu.memory_space<vmem>> -> memref<64xf32, #tpu.memory_space<vmem>>
        %dma_start3A_446 = arith.constant 0 : i32
        %dma_start3A_447 = tpu.memref_slice %arg5[%squeeze3A_438, %dma_start3A_446] : memref<1000001x64xf32, #tpu.memory_space<hbm>> -> memref<1x64xf32, #tpu.memory_space<hbm>>
        %dma_start3A_448 = tpu.memref_squeeze %dma_start3A_447 : memref<1x64xf32, #tpu.memory_space<hbm>> -> memref<64xf32, #tpu.memory_space<hbm>>
        %dma_start3A_449 = arith.constant 0 : i32
        %dma_start3A_450 = tpu.memref_slice %arg12[%add3A_442, %dma_start3A_449] : memref<128x64xf32, #tpu.memory_space<vmem>> -> memref<1x64xf32, #tpu.memory_space<vmem>>
        %dma_start3A_451 = tpu.memref_squeeze %dma_start3A_450 : memref<1x64xf32, #tpu.memory_space<vmem>> -> memref<64xf32, #tpu.memory_space<vmem>>
        %dma_start3A_452 = arith.constant 0 : i32
        %dma_start3A_453 = tpu.memref_slice %arg5[%squeeze3A_438, %dma_start3A_452] : memref<1000001x64xf32, #tpu.memory_space<hbm>> -> memref<1x64xf32, #tpu.memory_space<hbm>>
        %dma_start3A_454 = tpu.memref_squeeze %dma_start3A_453 : memref<1x64xf32, #tpu.memory_space<hbm>> -> memref<64xf32, #tpu.memory_space<hbm>>
        tpu.enqueue_dma source(%dma_start3A_454 : memref<64xf32, #tpu.memory_space<hbm>>) target(%dma_start3A_451 : memref<64xf32, #tpu.memory_space<vmem>>) target_semaphore(%arg14 : memref<!tpu.dma_semaphore, #tpu.memory_space<semaphore_mem>>)
        %slice3A_455 = vector.extract_strided_slice %get3A_328 {offsets = [7], sizes = [1], strides = [1]} : vector<16xi32> to vector<1xi32>
        %squeeze3A_456 = vector.extract %slice3A_455[0] : i32 from vector<1xi32>
        %mul3A_457 = arith.constant 16 : i32
        %mul3A_458 = arith.muli %scan3A_36, %mul3A_457 : i32
        %add3A_459 = arith.constant 7 : i32
        %add3A_460 = arith.addi %mul3A_458, %add3A_459 : i32
        %dma_start3A_461 = arith.constant 0 : i32
        %dma_start3A_462 = tpu.memref_slice %arg12[%add3A_460, %dma_start3A_461] : memref<128x64xf32, #tpu.memory_space<vmem>> -> memref<1x64xf32, #tpu.memory_space<vmem>>
        %dma_start3A_463 = tpu.memref_squeeze %dma_start3A_462 : memref<1x64xf32, #tpu.memory_space<vmem>> -> memref<64xf32, #tpu.memory_space<vmem>>
        %dma_start3A_464 = arith.constant 0 : i32
        %dma_start3A_465 = tpu.memref_slice %arg5[%squeeze3A_456, %dma_start3A_464] : memref<1000001x64xf32, #tpu.memory_space<hbm>> -> memref<1x64xf32, #tpu.memory_space<hbm>>
        %dma_start3A_466 = tpu.memref_squeeze %dma_start3A_465 : memref<1x64xf32, #tpu.memory_space<hbm>> -> memref<64xf32, #tpu.memory_space<hbm>>
        %dma_start3A_467 = arith.constant 0 : i32
        %dma_start3A_468 = tpu.memref_slice %arg12[%add3A_460, %dma_start3A_467] : memref<128x64xf32, #tpu.memory_space<vmem>> -> memref<1x64xf32, #tpu.memory_space<vmem>>
        %dma_start3A_469 = tpu.memref_squeeze %dma_start3A_468 : memref<1x64xf32, #tpu.memory_space<vmem>> -> memref<64xf32, #tpu.memory_space<vmem>>
        %dma_start3A_470 = arith.constant 0 : i32
        %dma_start3A_471 = tpu.memref_slice %arg5[%squeeze3A_456, %dma_start3A_470] : memref<1000001x64xf32, #tpu.memory_space<hbm>> -> memref<1x64xf32, #tpu.memory_space<hbm>>
        %dma_start3A_472 = tpu.memref_squeeze %dma_start3A_471 : memref<1x64xf32, #tpu.memory_space<hbm>> -> memref<64xf32, #tpu.memory_space<hbm>>
        tpu.enqueue_dma source(%dma_start3A_472 : memref<64xf32, #tpu.memory_space<hbm>>) target(%dma_start3A_469 : memref<64xf32, #tpu.memory_space<vmem>>) target_semaphore(%arg14 : memref<!tpu.dma_semaphore, #tpu.memory_space<semaphore_mem>>)
        %slice3A_473 = vector.extract_strided_slice %get3A_328 {offsets = [8], sizes = [1], strides = [1]} : vector<16xi32> to vector<1xi32>
        %squeeze3A_474 = vector.extract %slice3A_473[0] : i32 from vector<1xi32>
        %mul3A_475 = arith.constant 16 : i32
        %mul3A_476 = arith.muli %scan3A_36, %mul3A_475 : i32
        %add3A_477 = arith.constant 8 : i32
        %add3A_478 = arith.addi %mul3A_476, %add3A_477 : i32
        %dma_start3A_479 = arith.constant 0 : i32
        %dma_start3A_480 = tpu.memref_slice %arg12[%add3A_478, %dma_start3A_479] : memref<128x64xf32, #tpu.memory_space<vmem>> -> memref<1x64xf32, #tpu.memory_space<vmem>>
        %dma_start3A_481 = tpu.memref_squeeze %dma_start3A_480 : memref<1x64xf32, #tpu.memory_space<vmem>> -> memref<64xf32, #tpu.memory_space<vmem>>
        %dma_start3A_482 = arith.constant 0 : i32
        %dma_start3A_483 = tpu.memref_slice %arg5[%squeeze3A_474, %dma_start3A_482] : memref<1000001x64xf32, #tpu.memory_space<hbm>> -> memref<1x64xf32, #tpu.memory_space<hbm>>
        %dma_start3A_484 = tpu.memref_squeeze %dma_start3A_483 : memref<1x64xf32, #tpu.memory_space<hbm>> -> memref<64xf32, #tpu.memory_space<hbm>>
        %dma_start3A_485 = arith.constant 0 : i32
        %dma_start3A_486 = tpu.memref_slice %arg12[%add3A_478, %dma_start3A_485] : memref<128x64xf32, #tpu.memory_space<vmem>> -> memref<1x64xf32, #tpu.memory_space<vmem>>
        %dma_start3A_487 = tpu.memref_squeeze %dma_start3A_486 : memref<1x64xf32, #tpu.memory_space<vmem>> -> memref<64xf32, #tpu.memory_space<vmem>>
        %dma_start3A_488 = arith.constant 0 : i32
        %dma_start3A_489 = tpu.memref_slice %arg5[%squeeze3A_474, %dma_start3A_488] : memref<1000001x64xf32, #tpu.memory_space<hbm>> -> memref<1x64xf32, #tpu.memory_space<hbm>>
        %dma_start3A_490 = tpu.memref_squeeze %dma_start3A_489 : memref<1x64xf32, #tpu.memory_space<hbm>> -> memref<64xf32, #tpu.memory_space<hbm>>
        tpu.enqueue_dma source(%dma_start3A_490 : memref<64xf32, #tpu.memory_space<hbm>>) target(%dma_start3A_487 : memref<64xf32, #tpu.memory_space<vmem>>) target_semaphore(%arg14 : memref<!tpu.dma_semaphore, #tpu.memory_space<semaphore_mem>>)
        %slice3A_491 = vector.extract_strided_slice %get3A_328 {offsets = [9], sizes = [1], strides = [1]} : vector<16xi32> to vector<1xi32>
        %squeeze3A_492 = vector.extract %slice3A_491[0] : i32 from vector<1xi32>
        %mul3A_493 = arith.constant 16 : i32
        %mul3A_494 = arith.muli %scan3A_36, %mul3A_493 : i32
        %add3A_495 = arith.constant 9 : i32
        %add3A_496 = arith.addi %mul3A_494, %add3A_495 : i32
        %dma_start3A_497 = arith.constant 0 : i32
        %dma_start3A_498 = tpu.memref_slice %arg12[%add3A_496, %dma_start3A_497] : memref<128x64xf32, #tpu.memory_space<vmem>> -> memref<1x64xf32, #tpu.memory_space<vmem>>
        %dma_start3A_499 = tpu.memref_squeeze %dma_start3A_498 : memref<1x64xf32, #tpu.memory_space<vmem>> -> memref<64xf32, #tpu.memory_space<vmem>>
        %dma_start3A_500 = arith.constant 0 : i32
        %dma_start3A_501 = tpu.memref_slice %arg5[%squeeze3A_492, %dma_start3A_500] : memref<1000001x64xf32, #tpu.memory_space<hbm>> -> memref<1x64xf32, #tpu.memory_space<hbm>>
        %dma_start3A_502 = tpu.memref_squeeze %dma_start3A_501 : memref<1x64xf32, #tpu.memory_space<hbm>> -> memref<64xf32, #tpu.memory_space<hbm>>
        %dma_start3A_503 = arith.constant 0 : i32
        %dma_start3A_504 = tpu.memref_slice %arg12[%add3A_496, %dma_start3A_503] : memref<128x64xf32, #tpu.memory_space<vmem>> -> memref<1x64xf32, #tpu.memory_space<vmem>>
        %dma_start3A_505 = tpu.memref_squeeze %dma_start3A_504 : memref<1x64xf32, #tpu.memory_space<vmem>> -> memref<64xf32, #tpu.memory_space<vmem>>
        %dma_start3A_506 = arith.constant 0 : i32
        %dma_start3A_507 = tpu.memref_slice %arg5[%squeeze3A_492, %dma_start3A_506] : memref<1000001x64xf32, #tpu.memory_space<hbm>> -> memref<1x64xf32, #tpu.memory_space<hbm>>
        %dma_start3A_508 = tpu.memref_squeeze %dma_start3A_507 : memref<1x64xf32, #tpu.memory_space<hbm>> -> memref<64xf32, #tpu.memory_space<hbm>>
        tpu.enqueue_dma source(%dma_start3A_508 : memref<64xf32, #tpu.memory_space<hbm>>) target(%dma_start3A_505 : memref<64xf32, #tpu.memory_space<vmem>>) target_semaphore(%arg14 : memref<!tpu.dma_semaphore, #tpu.memory_space<semaphore_mem>>)
        %slice3A_509 = vector.extract_strided_slice %get3A_328 {offsets = [10], sizes = [1], strides = [1]} : vector<16xi32> to vector<1xi32>
        %squeeze3A_510 = vector.extract %slice3A_509[0] : i32 from vector<1xi32>
        %mul3A_511 = arith.constant 16 : i32
        %mul3A_512 = arith.muli %scan3A_36, %mul3A_511 : i32
        %add3A_513 = arith.constant 10 : i32
        %add3A_514 = arith.addi %mul3A_512, %add3A_513 : i32
        %dma_start3A_515 = arith.constant 0 : i32
        %dma_start3A_516 = tpu.memref_slice %arg12[%add3A_514, %dma_start3A_515] : memref<128x64xf32, #tpu.memory_space<vmem>> -> memref<1x64xf32, #tpu.memory_space<vmem>>
        %dma_start3A_517 = tpu.memref_squeeze %dma_start3A_516 : memref<1x64xf32, #tpu.memory_space<vmem>> -> memref<64xf32, #tpu.memory_space<vmem>>
        %dma_start3A_518 = arith.constant 0 : i32
        %dma_start3A_519 = tpu.memref_slice %arg5[%squeeze3A_510, %dma_start3A_518] : memref<1000001x64xf32, #tpu.memory_space<hbm>> -> memref<1x64xf32, #tpu.memory_space<hbm>>
        %dma_start3A_520 = tpu.memref_squeeze %dma_start3A_519 : memref<1x64xf32, #tpu.memory_space<hbm>> -> memref<64xf32, #tpu.memory_space<hbm>>
        %dma_start3A_521 = arith.constant 0 : i32
        %dma_start3A_522 = tpu.memref_slice %arg12[%add3A_514, %dma_start3A_521] : memref<128x64xf32, #tpu.memory_space<vmem>> -> memref<1x64xf32, #tpu.memory_space<vmem>>
        %dma_start3A_523 = tpu.memref_squeeze %dma_start3A_522 : memref<1x64xf32, #tpu.memory_space<vmem>> -> memref<64xf32, #tpu.memory_space<vmem>>
        %dma_start3A_524 = arith.constant 0 : i32
        %dma_start3A_525 = tpu.memref_slice %arg5[%squeeze3A_510, %dma_start3A_524] : memref<1000001x64xf32, #tpu.memory_space<hbm>> -> memref<1x64xf32, #tpu.memory_space<hbm>>
        %dma_start3A_526 = tpu.memref_squeeze %dma_start3A_525 : memref<1x64xf32, #tpu.memory_space<hbm>> -> memref<64xf32, #tpu.memory_space<hbm>>
        tpu.enqueue_dma source(%dma_start3A_526 : memref<64xf32, #tpu.memory_space<hbm>>) target(%dma_start3A_523 : memref<64xf32, #tpu.memory_space<vmem>>) target_semaphore(%arg14 : memref<!tpu.dma_semaphore, #tpu.memory_space<semaphore_mem>>)
        %slice3A_527 = vector.extract_strided_slice %get3A_328 {offsets = [11], sizes = [1], strides = [1]} : vector<16xi32> to vector<1xi32>
        %squeeze3A_528 = vector.extract %slice3A_527[0] : i32 from vector<1xi32>
        %mul3A_529 = arith.constant 16 : i32
        %mul3A_530 = arith.muli %scan3A_36, %mul3A_529 : i32
        %add3A_531 = arith.constant 11 : i32
        %add3A_532 = arith.addi %mul3A_530, %add3A_531 : i32
        %dma_start3A_533 = arith.constant 0 : i32
        %dma_start3A_534 = tpu.memref_slice %arg12[%add3A_532, %dma_start3A_533] : memref<128x64xf32, #tpu.memory_space<vmem>> -> memref<1x64xf32, #tpu.memory_space<vmem>>
        %dma_start3A_535 = tpu.memref_squeeze %dma_start3A_534 : memref<1x64xf32, #tpu.memory_space<vmem>> -> memref<64xf32, #tpu.memory_space<vmem>>
        %dma_start3A_536 = arith.constant 0 : i32
        %dma_start3A_537 = tpu.memref_slice %arg5[%squeeze3A_528, %dma_start3A_536] : memref<1000001x64xf32, #tpu.memory_space<hbm>> -> memref<1x64xf32, #tpu.memory_space<hbm>>
        %dma_start3A_538 = tpu.memref_squeeze %dma_start3A_537 : memref<1x64xf32, #tpu.memory_space<hbm>> -> memref<64xf32, #tpu.memory_space<hbm>>
        %dma_start3A_539 = arith.constant 0 : i32
        %dma_start3A_540 = tpu.memref_slice %arg12[%add3A_532, %dma_start3A_539] : memref<128x64xf32, #tpu.memory_space<vmem>> -> memref<1x64xf32, #tpu.memory_space<vmem>>
        %dma_start3A_541 = tpu.memref_squeeze %dma_start3A_540 : memref<1x64xf32, #tpu.memory_space<vmem>> -> memref<64xf32, #tpu.memory_space<vmem>>
        %dma_start3A_542 = arith.constant 0 : i32
        %dma_start3A_543 = tpu.memref_slice %arg5[%squeeze3A_528, %dma_start3A_542] : memref<1000001x64xf32, #tpu.memory_space<hbm>> -> memref<1x64xf32, #tpu.memory_space<hbm>>
        %dma_start3A_544 = tpu.memref_squeeze %dma_start3A_543 : memref<1x64xf32, #tpu.memory_space<hbm>> -> memref<64xf32, #tpu.memory_space<hbm>>
        tpu.enqueue_dma source(%dma_start3A_544 : memref<64xf32, #tpu.memory_space<hbm>>) target(%dma_start3A_541 : memref<64xf32, #tpu.memory_space<vmem>>) target_semaphore(%arg14 : memref<!tpu.dma_semaphore, #tpu.memory_space<semaphore_mem>>)
        %slice3A_545 = vector.extract_strided_slice %get3A_328 {offsets = [12], sizes = [1], strides = [1]} : vector<16xi32> to vector<1xi32>
        %squeeze3A_546 = vector.extract %slice3A_545[0] : i32 from vector<1xi32>
        %mul3A_547 = arith.constant 16 : i32
        %mul3A_548 = arith.muli %scan3A_36, %mul3A_547 : i32
        %add3A_549 = arith.constant 12 : i32
        %add3A_550 = arith.addi %mul3A_548, %add3A_549 : i32
        %dma_start3A_551 = arith.constant 0 : i32
        %dma_start3A_552 = tpu.memref_slice %arg12[%add3A_550, %dma_start3A_551] : memref<128x64xf32, #tpu.memory_space<vmem>> -> memref<1x64xf32, #tpu.memory_space<vmem>>
        %dma_start3A_553 = tpu.memref_squeeze %dma_start3A_552 : memref<1x64xf32, #tpu.memory_space<vmem>> -> memref<64xf32, #tpu.memory_space<vmem>>
        %dma_start3A_554 = arith.constant 0 : i32
        %dma_start3A_555 = tpu.memref_slice %arg5[%squeeze3A_546, %dma_start3A_554] : memref<1000001x64xf32, #tpu.memory_space<hbm>> -> memref<1x64xf32, #tpu.memory_space<hbm>>
        %dma_start3A_556 = tpu.memref_squeeze %dma_start3A_555 : memref<1x64xf32, #tpu.memory_space<hbm>> -> memref<64xf32, #tpu.memory_space<hbm>>
        %dma_start3A_557 = arith.constant 0 : i32
        %dma_start3A_558 = tpu.memref_slice %arg12[%add3A_550, %dma_start3A_557] : memref<128x64xf32, #tpu.memory_space<vmem>> -> memref<1x64xf32, #tpu.memory_space<vmem>>
        %dma_start3A_559 = tpu.memref_squeeze %dma_start3A_558 : memref<1x64xf32, #tpu.memory_space<vmem>> -> memref<64xf32, #tpu.memory_space<vmem>>
        %dma_start3A_560 = arith.constant 0 : i32
        %dma_start3A_561 = tpu.memref_slice %arg5[%squeeze3A_546, %dma_start3A_560] : memref<1000001x64xf32, #tpu.memory_space<hbm>> -> memref<1x64xf32, #tpu.memory_space<hbm>>
        %dma_start3A_562 = tpu.memref_squeeze %dma_start3A_561 : memref<1x64xf32, #tpu.memory_space<hbm>> -> memref<64xf32, #tpu.memory_space<hbm>>
        tpu.enqueue_dma source(%dma_start3A_562 : memref<64xf32, #tpu.memory_space<hbm>>) target(%dma_start3A_559 : memref<64xf32, #tpu.memory_space<vmem>>) target_semaphore(%arg14 : memref<!tpu.dma_semaphore, #tpu.memory_space<semaphore_mem>>)
        %slice3A_563 = vector.extract_strided_slice %get3A_328 {offsets = [13], sizes = [1], strides = [1]} : vector<16xi32> to vector<1xi32>
        %squeeze3A_564 = vector.extract %slice3A_563[0] : i32 from vector<1xi32>
        %mul3A_565 = arith.constant 16 : i32
        %mul3A_566 = arith.muli %scan3A_36, %mul3A_565 : i32
        %add3A_567 = arith.constant 13 : i32
        %add3A_568 = arith.addi %mul3A_566, %add3A_567 : i32
        %dma_start3A_569 = arith.constant 0 : i32
        %dma_start3A_570 = tpu.memref_slice %arg12[%add3A_568, %dma_start3A_569] : memref<128x64xf32, #tpu.memory_space<vmem>> -> memref<1x64xf32, #tpu.memory_space<vmem>>
        %dma_start3A_571 = tpu.memref_squeeze %dma_start3A_570 : memref<1x64xf32, #tpu.memory_space<vmem>> -> memref<64xf32, #tpu.memory_space<vmem>>
        %dma_start3A_572 = arith.constant 0 : i32
        %dma_start3A_573 = tpu.memref_slice %arg5[%squeeze3A_564, %dma_start3A_572] : memref<1000001x64xf32, #tpu.memory_space<hbm>> -> memref<1x64xf32, #tpu.memory_space<hbm>>
        %dma_start3A_574 = tpu.memref_squeeze %dma_start3A_573 : memref<1x64xf32, #tpu.memory_space<hbm>> -> memref<64xf32, #tpu.memory_space<hbm>>
        %dma_start3A_575 = arith.constant 0 : i32
        %dma_start3A_576 = tpu.memref_slice %arg12[%add3A_568, %dma_start3A_575] : memref<128x64xf32, #tpu.memory_space<vmem>> -> memref<1x64xf32, #tpu.memory_space<vmem>>
        %dma_start3A_577 = tpu.memref_squeeze %dma_start3A_576 : memref<1x64xf32, #tpu.memory_space<vmem>> -> memref<64xf32, #tpu.memory_space<vmem>>
        %dma_start3A_578 = arith.constant 0 : i32
        %dma_start3A_579 = tpu.memref_slice %arg5[%squeeze3A_564, %dma_start3A_578] : memref<1000001x64xf32, #tpu.memory_space<hbm>> -> memref<1x64xf32, #tpu.memory_space<hbm>>
        %dma_start3A_580 = tpu.memref_squeeze %dma_start3A_579 : memref<1x64xf32, #tpu.memory_space<hbm>> -> memref<64xf32, #tpu.memory_space<hbm>>
        tpu.enqueue_dma source(%dma_start3A_580 : memref<64xf32, #tpu.memory_space<hbm>>) target(%dma_start3A_577 : memref<64xf32, #tpu.memory_space<vmem>>) target_semaphore(%arg14 : memref<!tpu.dma_semaphore, #tpu.memory_space<semaphore_mem>>)
        %slice3A_581 = vector.extract_strided_slice %get3A_328 {offsets = [14], sizes = [1], strides = [1]} : vector<16xi32> to vector<1xi32>
        %squeeze3A_582 = vector.extract %slice3A_581[0] : i32 from vector<1xi32>
        %mul3A_583 = arith.constant 16 : i32
        %mul3A_584 = arith.muli %scan3A_36, %mul3A_583 : i32
        %add3A_585 = arith.constant 14 : i32
        %add3A_586 = arith.addi %mul3A_584, %add3A_585 : i32
        %dma_start3A_587 = arith.constant 0 : i32
        %dma_start3A_588 = tpu.memref_slice %arg12[%add3A_586, %dma_start3A_587] : memref<128x64xf32, #tpu.memory_space<vmem>> -> memref<1x64xf32, #tpu.memory_space<vmem>>
        %dma_start3A_589 = tpu.memref_squeeze %dma_start3A_588 : memref<1x64xf32, #tpu.memory_space<vmem>> -> memref<64xf32, #tpu.memory_space<vmem>>
        %dma_start3A_590 = arith.constant 0 : i32
        %dma_start3A_591 = tpu.memref_slice %arg5[%squeeze3A_582, %dma_start3A_590] : memref<1000001x64xf32, #tpu.memory_space<hbm>> -> memref<1x64xf32, #tpu.memory_space<hbm>>
        %dma_start3A_592 = tpu.memref_squeeze %dma_start3A_591 : memref<1x64xf32, #tpu.memory_space<hbm>> -> memref<64xf32, #tpu.memory_space<hbm>>
        %dma_start3A_593 = arith.constant 0 : i32
        %dma_start3A_594 = tpu.memref_slice %arg12[%add3A_586, %dma_start3A_593] : memref<128x64xf32, #tpu.memory_space<vmem>> -> memref<1x64xf32, #tpu.memory_space<vmem>>
        %dma_start3A_595 = tpu.memref_squeeze %dma_start3A_594 : memref<1x64xf32, #tpu.memory_space<vmem>> -> memref<64xf32, #tpu.memory_space<vmem>>
        %dma_start3A_596 = arith.constant 0 : i32
        %dma_start3A_597 = tpu.memref_slice %arg5[%squeeze3A_582, %dma_start3A_596] : memref<1000001x64xf32, #tpu.memory_space<hbm>> -> memref<1x64xf32, #tpu.memory_space<hbm>>
        %dma_start3A_598 = tpu.memref_squeeze %dma_start3A_597 : memref<1x64xf32, #tpu.memory_space<hbm>> -> memref<64xf32, #tpu.memory_space<hbm>>
        tpu.enqueue_dma source(%dma_start3A_598 : memref<64xf32, #tpu.memory_space<hbm>>) target(%dma_start3A_595 : memref<64xf32, #tpu.memory_space<vmem>>) target_semaphore(%arg14 : memref<!tpu.dma_semaphore, #tpu.memory_space<semaphore_mem>>)
        %slice3A_599 = vector.extract_strided_slice %get3A_328 {offsets = [15], sizes = [1], strides = [1]} : vector<16xi32> to vector<1xi32>
        %squeeze3A_600 = vector.extract %slice3A_599[0] : i32 from vector<1xi32>
        %mul3A_601 = arith.constant 16 : i32
        %mul3A_602 = arith.muli %scan3A_36, %mul3A_601 : i32
        %add3A_603 = arith.constant 15 : i32
        %add3A_604 = arith.addi %mul3A_602, %add3A_603 : i32
        %dma_start3A_605 = arith.constant 0 : i32
        %dma_start3A_606 = tpu.memref_slice %arg12[%add3A_604, %dma_start3A_605] : memref<128x64xf32, #tpu.memory_space<vmem>> -> memref<1x64xf32, #tpu.memory_space<vmem>>
        %dma_start3A_607 = tpu.memref_squeeze %dma_start3A_606 : memref<1x64xf32, #tpu.memory_space<vmem>> -> memref<64xf32, #tpu.memory_space<vmem>>
        %dma_start3A_608 = arith.constant 0 : i32
        %dma_start3A_609 = tpu.memref_slice %arg5[%squeeze3A_600, %dma_start3A_608] : memref<1000001x64xf32, #tpu.memory_space<hbm>> -> memref<1x64xf32, #tpu.memory_space<hbm>>
        %dma_start3A_610 = tpu.memref_squeeze %dma_start3A_609 : memref<1x64xf32, #tpu.memory_space<hbm>> -> memref<64xf32, #tpu.memory_space<hbm>>
        %dma_start3A_611 = arith.constant 0 : i32
        %dma_start3A_612 = tpu.memref_slice %arg12[%add3A_604, %dma_start3A_611] : memref<128x64xf32, #tpu.memory_space<vmem>> -> memref<1x64xf32, #tpu.memory_space<vmem>>
        %dma_start3A_613 = tpu.memref_squeeze %dma_start3A_612 : memref<1x64xf32, #tpu.memory_space<vmem>> -> memref<64xf32, #tpu.memory_space<vmem>>
        %dma_start3A_614 = arith.constant 0 : i32
        %dma_start3A_615 = tpu.memref_slice %arg5[%squeeze3A_600, %dma_start3A_614] : memref<1000001x64xf32, #tpu.memory_space<hbm>> -> memref<1x64xf32, #tpu.memory_space<hbm>>
        %dma_start3A_616 = tpu.memref_squeeze %dma_start3A_615 : memref<1x64xf32, #tpu.memory_space<hbm>> -> memref<64xf32, #tpu.memory_space<hbm>>
        tpu.enqueue_dma source(%dma_start3A_616 : memref<64xf32, #tpu.memory_space<hbm>>) target(%dma_start3A_613 : memref<64xf32, #tpu.memory_space<vmem>>) target_semaphore(%arg14 : memref<!tpu.dma_semaphore, #tpu.memory_space<semaphore_mem>>)
        %get3A_617 = arith.index_cast %add3A_40 : i32 to index
        %get3A_618 = tpu.vector_load %arg10[%get3A_617] {strides = array<i32>} : memref<512xi32, #tpu.memory_space<vmem>>, vector<16xi32>,
        %slice3A_619 = vector.extract_strided_slice %get3A_618 {offsets = [0], sizes = [1], strides = [1]} : vector<16xi32> to vector<1xi32>
        %squeeze3A_620 = vector.extract %slice3A_619[0] : i32 from vector<1xi32>
        %mul3A_621 = arith.constant 16 : i32
        %mul3A_622 = arith.muli %scan3A_36, %mul3A_621 : i32
        %add3A_623 = arith.constant 0 : i32
        %add3A_624 = arith.addi %mul3A_622, %add3A_623 : i32
        %dma_start3A_625 = arith.constant 0 : i32
        %dma_start3A_626 = tpu.memref_slice %arg13[%add3A_624, %dma_start3A_625] : memref<128x64xf32, #tpu.memory_space<vmem>> -> memref<1x64xf32, #tpu.memory_space<vmem>>
        %dma_start3A_627 = tpu.memref_squeeze %dma_start3A_626 : memref<1x64xf32, #tpu.memory_space<vmem>> -> memref<64xf32, #tpu.memory_space<vmem>>
        %dma_start3A_628 = arith.constant 0 : i32
        %dma_start3A_629 = tpu.memref_slice %arg5[%squeeze3A_620, %dma_start3A_628] : memref<1000001x64xf32, #tpu.memory_space<hbm>> -> memref<1x64xf32, #tpu.memory_space<hbm>>
        %dma_start3A_630 = tpu.memref_squeeze %dma_start3A_629 : memref<1x64xf32, #tpu.memory_space<hbm>> -> memref<64xf32, #tpu.memory_space<hbm>>
        %dma_start3A_631 = arith.constant 0 : i32
        %dma_start3A_632 = tpu.memref_slice %arg13[%add3A_624, %dma_start3A_631] : memref<128x64xf32, #tpu.memory_space<vmem>> -> memref<1x64xf32, #tpu.memory_space<vmem>>
        %dma_start3A_633 = tpu.memref_squeeze %dma_start3A_632 : memref<1x64xf32, #tpu.memory_space<vmem>> -> memref<64xf32, #tpu.memory_space<vmem>>
        %dma_start3A_634 = arith.constant 0 : i32
        %dma_start3A_635 = tpu.memref_slice %arg5[%squeeze3A_620, %dma_start3A_634] : memref<1000001x64xf32, #tpu.memory_space<hbm>> -> memref<1x64xf32, #tpu.memory_space<hbm>>
        %dma_start3A_636 = tpu.memref_squeeze %dma_start3A_635 : memref<1x64xf32, #tpu.memory_space<hbm>> -> memref<64xf32, #tpu.memory_space<hbm>>
        tpu.enqueue_dma source(%dma_start3A_636 : memref<64xf32, #tpu.memory_space<hbm>>) target(%dma_start3A_633 : memref<64xf32, #tpu.memory_space<vmem>>) target_semaphore(%arg14 : memref<!tpu.dma_semaphore, #tpu.memory_space<semaphore_mem>>)
        %slice3A_637 = vector.extract_strided_slice %get3A_618 {offsets = [1], sizes = [1], strides = [1]} : vector<16xi32> to vector<1xi32>
        %squeeze3A_638 = vector.extract %slice3A_637[0] : i32 from vector<1xi32>
        %mul3A_639 = arith.constant 16 : i32
        %mul3A_640 = arith.muli %scan3A_36, %mul3A_639 : i32
        %add3A_641 = arith.constant 1 : i32
        %add3A_642 = arith.addi %mul3A_640, %add3A_641 : i32
        %dma_start3A_643 = arith.constant 0 : i32
        %dma_start3A_644 = tpu.memref_slice %arg13[%add3A_642, %dma_start3A_643] : memref<128x64xf32, #tpu.memory_space<vmem>> -> memref<1x64xf32, #tpu.memory_space<vmem>>
        %dma_start3A_645 = tpu.memref_squeeze %dma_start3A_644 : memref<1x64xf32, #tpu.memory_space<vmem>> -> memref<64xf32, #tpu.memory_space<vmem>>
        %dma_start3A_646 = arith.constant 0 : i32
        %dma_start3A_647 = tpu.memref_slice %arg5[%squeeze3A_638, %dma_start3A_646] : memref<1000001x64xf32, #tpu.memory_space<hbm>> -> memref<1x64xf32, #tpu.memory_space<hbm>>
        %dma_start3A_648 = tpu.memref_squeeze %dma_start3A_647 : memref<1x64xf32, #tpu.memory_space<hbm>> -> memref<64xf32, #tpu.memory_space<hbm>>
        %dma_start3A_649 = arith.constant 0 : i32
        %dma_start3A_650 = tpu.memref_slice %arg13[%add3A_642, %dma_start3A_649] : memref<128x64xf32, #tpu.memory_space<vmem>> -> memref<1x64xf32, #tpu.memory_space<vmem>>
        %dma_start3A_651 = tpu.memref_squeeze %dma_start3A_650 : memref<1x64xf32, #tpu.memory_space<vmem>> -> memref<64xf32, #tpu.memory_space<vmem>>
        %dma_start3A_652 = arith.constant 0 : i32
        %dma_start3A_653 = tpu.memref_slice %arg5[%squeeze3A_638, %dma_start3A_652] : memref<1000001x64xf32, #tpu.memory_space<hbm>> -> memref<1x64xf32, #tpu.memory_space<hbm>>
        %dma_start3A_654 = tpu.memref_squeeze %dma_start3A_653 : memref<1x64xf32, #tpu.memory_space<hbm>> -> memref<64xf32, #tpu.memory_space<hbm>>
        tpu.enqueue_dma source(%dma_start3A_654 : memref<64xf32, #tpu.memory_space<hbm>>) target(%dma_start3A_651 : memref<64xf32, #tpu.memory_space<vmem>>) target_semaphore(%arg14 : memref<!tpu.dma_semaphore, #tpu.memory_space<semaphore_mem>>)
        %slice3A_655 = vector.extract_strided_slice %get3A_618 {offsets = [2], sizes = [1], strides = [1]} : vector<16xi32> to vector<1xi32>
        %squeeze3A_656 = vector.extract %slice3A_655[0] : i32 from vector<1xi32>
        %mul3A_657 = arith.constant 16 : i32
        %mul3A_658 = arith.muli %scan3A_36, %mul3A_657 : i32
        %add3A_659 = arith.constant 2 : i32
        %add3A_660 = arith.addi %mul3A_658, %add3A_659 : i32
        %dma_start3A_661 = arith.constant 0 : i32
        %dma_start3A_662 = tpu.memref_slice %arg13[%add3A_660, %dma_start3A_661] : memref<128x64xf32, #tpu.memory_space<vmem>> -> memref<1x64xf32, #tpu.memory_space<vmem>>
        %dma_start3A_663 = tpu.memref_squeeze %dma_start3A_662 : memref<1x64xf32, #tpu.memory_space<vmem>> -> memref<64xf32, #tpu.memory_space<vmem>>
        %dma_start3A_664 = arith.constant 0 : i32
        %dma_start3A_665 = tpu.memref_slice %arg5[%squeeze3A_656, %dma_start3A_664] : memref<1000001x64xf32, #tpu.memory_space<hbm>> -> memref<1x64xf32, #tpu.memory_space<hbm>>
        %dma_start3A_666 = tpu.memref_squeeze %dma_start3A_665 : memref<1x64xf32, #tpu.memory_space<hbm>> -> memref<64xf32, #tpu.memory_space<hbm>>
        %dma_start3A_667 = arith.constant 0 : i32
        %dma_start3A_668 = tpu.memref_slice %arg13[%add3A_660, %dma_start3A_667] : memref<128x64xf32, #tpu.memory_space<vmem>> -> memref<1x64xf32, #tpu.memory_space<vmem>>
        %dma_start3A_669 = tpu.memref_squeeze %dma_start3A_668 : memref<1x64xf32, #tpu.memory_space<vmem>> -> memref<64xf32, #tpu.memory_space<vmem>>
        %dma_start3A_670 = arith.constant 0 : i32
        %dma_start3A_671 = tpu.memref_slice %arg5[%squeeze3A_656, %dma_start3A_670] : memref<1000001x64xf32, #tpu.memory_space<hbm>> -> memref<1x64xf32, #tpu.memory_space<hbm>>
        %dma_start3A_672 = tpu.memref_squeeze %dma_start3A_671 : memref<1x64xf32, #tpu.memory_space<hbm>> -> memref<64xf32, #tpu.memory_space<hbm>>
        tpu.enqueue_dma source(%dma_start3A_672 : memref<64xf32, #tpu.memory_space<hbm>>) target(%dma_start3A_669 : memref<64xf32, #tpu.memory_space<vmem>>) target_semaphore(%arg14 : memref<!tpu.dma_semaphore, #tpu.memory_space<semaphore_mem>>)
        %slice3A_673 = vector.extract_strided_slice %get3A_618 {offsets = [3], sizes = [1], strides = [1]} : vector<16xi32> to vector<1xi32>
        %squeeze3A_674 = vector.extract %slice3A_673[0] : i32 from vector<1xi32>
        %mul3A_675 = arith.constant 16 : i32
        %mul3A_676 = arith.muli %scan3A_36, %mul3A_675 : i32
        %add3A_677 = arith.constant 3 : i32
        %add3A_678 = arith.addi %mul3A_676, %add3A_677 : i32
        %dma_start3A_679 = arith.constant 0 : i32
        %dma_start3A_680 = tpu.memref_slice %arg13[%add3A_678, %dma_start3A_679] : memref<128x64xf32, #tpu.memory_space<vmem>> -> memref<1x64xf32, #tpu.memory_space<vmem>>
        %dma_start3A_681 = tpu.memref_squeeze %dma_start3A_680 : memref<1x64xf32, #tpu.memory_space<vmem>> -> memref<64xf32, #tpu.memory_space<vmem>>
        %dma_start3A_682 = arith.constant 0 : i32
        %dma_start3A_683 = tpu.memref_slice %arg5[%squeeze3A_674, %dma_start3A_682] : memref<1000001x64xf32, #tpu.memory_space<hbm>> -> memref<1x64xf32, #tpu.memory_space<hbm>>
        %dma_start3A_684 = tpu.memref_squeeze %dma_start3A_683 : memref<1x64xf32, #tpu.memory_space<hbm>> -> memref<64xf32, #tpu.memory_space<hbm>>
        %dma_start3A_685 = arith.constant 0 : i32
        %dma_start3A_686 = tpu.memref_slice %arg13[%add3A_678, %dma_start3A_685] : memref<128x64xf32, #tpu.memory_space<vmem>> -> memref<1x64xf32, #tpu.memory_space<vmem>>
        %dma_start3A_687 = tpu.memref_squeeze %dma_start3A_686 : memref<1x64xf32, #tpu.memory_space<vmem>> -> memref<64xf32, #tpu.memory_space<vmem>>
        %dma_start3A_688 = arith.constant 0 : i32
        %dma_start3A_689 = tpu.memref_slice %arg5[%squeeze3A_674, %dma_start3A_688] : memref<1000001x64xf32, #tpu.memory_space<hbm>> -> memref<1x64xf32, #tpu.memory_space<hbm>>
        %dma_start3A_690 = tpu.memref_squeeze %dma_start3A_689 : memref<1x64xf32, #tpu.memory_space<hbm>> -> memref<64xf32, #tpu.memory_space<hbm>>
        tpu.enqueue_dma source(%dma_start3A_690 : memref<64xf32, #tpu.memory_space<hbm>>) target(%dma_start3A_687 : memref<64xf32, #tpu.memory_space<vmem>>) target_semaphore(%arg14 : memref<!tpu.dma_semaphore, #tpu.memory_space<semaphore_mem>>)
        %slice3A_691 = vector.extract_strided_slice %get3A_618 {offsets = [4], sizes = [1], strides = [1]} : vector<16xi32> to vector<1xi32>
        %squeeze3A_692 = vector.extract %slice3A_691[0] : i32 from vector<1xi32>
        %mul3A_693 = arith.constant 16 : i32
        %mul3A_694 = arith.muli %scan3A_36, %mul3A_693 : i32
        %add3A_695 = arith.constant 4 : i32
        %add3A_696 = arith.addi %mul3A_694, %add3A_695 : i32
        %dma_start3A_697 = arith.constant 0 : i32
        %dma_start3A_698 = tpu.memref_slice %arg13[%add3A_696, %dma_start3A_697] : memref<128x64xf32, #tpu.memory_space<vmem>> -> memref<1x64xf32, #tpu.memory_space<vmem>>
        %dma_start3A_699 = tpu.memref_squeeze %dma_start3A_698 : memref<1x64xf32, #tpu.memory_space<vmem>> -> memref<64xf32, #tpu.memory_space<vmem>>
        %dma_start3A_700 = arith.constant 0 : i32
        %dma_start3A_701 = tpu.memref_slice %arg5[%squeeze3A_692, %dma_start3A_700] : memref<1000001x64xf32, #tpu.memory_space<hbm>> -> memref<1x64xf32, #tpu.memory_space<hbm>>
        %dma_start3A_702 = tpu.memref_squeeze %dma_start3A_701 : memref<1x64xf32, #tpu.memory_space<hbm>> -> memref<64xf32, #tpu.memory_space<hbm>>
        %dma_start3A_703 = arith.constant 0 : i32
        %dma_start3A_704 = tpu.memref_slice %arg13[%add3A_696, %dma_start3A_703] : memref<128x64xf32, #tpu.memory_space<vmem>> -> memref<1x64xf32, #tpu.memory_space<vmem>>
        %dma_start3A_705 = tpu.memref_squeeze %dma_start3A_704 : memref<1x64xf32, #tpu.memory_space<vmem>> -> memref<64xf32, #tpu.memory_space<vmem>>
        %dma_start3A_706 = arith.constant 0 : i32
        %dma_start3A_707 = tpu.memref_slice %arg5[%squeeze3A_692, %dma_start3A_706] : memref<1000001x64xf32, #tpu.memory_space<hbm>> -> memref<1x64xf32, #tpu.memory_space<hbm>>
        %dma_start3A_708 = tpu.memref_squeeze %dma_start3A_707 : memref<1x64xf32, #tpu.memory_space<hbm>> -> memref<64xf32, #tpu.memory_space<hbm>>
        tpu.enqueue_dma source(%dma_start3A_708 : memref<64xf32, #tpu.memory_space<hbm>>) target(%dma_start3A_705 : memref<64xf32, #tpu.memory_space<vmem>>) target_semaphore(%arg14 : memref<!tpu.dma_semaphore, #tpu.memory_space<semaphore_mem>>)
        %slice3A_709 = vector.extract_strided_slice %get3A_618 {offsets = [5], sizes = [1], strides = [1]} : vector<16xi32> to vector<1xi32>
        %squeeze3A_710 = vector.extract %slice3A_709[0] : i32 from vector<1xi32>
        %mul3A_711 = arith.constant 16 : i32
        %mul3A_712 = arith.muli %scan3A_36, %mul3A_711 : i32
        %add3A_713 = arith.constant 5 : i32
        %add3A_714 = arith.addi %mul3A_712, %add3A_713 : i32
        %dma_start3A_715 = arith.constant 0 : i32
        %dma_start3A_716 = tpu.memref_slice %arg13[%add3A_714, %dma_start3A_715] : memref<128x64xf32, #tpu.memory_space<vmem>> -> memref<1x64xf32, #tpu.memory_space<vmem>>
        %dma_start3A_717 = tpu.memref_squeeze %dma_start3A_716 : memref<1x64xf32, #tpu.memory_space<vmem>> -> memref<64xf32, #tpu.memory_space<vmem>>
        %dma_start3A_718 = arith.constant 0 : i32
        %dma_start3A_719 = tpu.memref_slice %arg5[%squeeze3A_710, %dma_start3A_718] : memref<1000001x64xf32, #tpu.memory_space<hbm>> -> memref<1x64xf32, #tpu.memory_space<hbm>>
        %dma_start3A_720 = tpu.memref_squeeze %dma_start3A_719 : memref<1x64xf32, #tpu.memory_space<hbm>> -> memref<64xf32, #tpu.memory_space<hbm>>
        %dma_start3A_721 = arith.constant 0 : i32
        %dma_start3A_722 = tpu.memref_slice %arg13[%add3A_714, %dma_start3A_721] : memref<128x64xf32, #tpu.memory_space<vmem>> -> memref<1x64xf32, #tpu.memory_space<vmem>>
        %dma_start3A_723 = tpu.memref_squeeze %dma_start3A_722 : memref<1x64xf32, #tpu.memory_space<vmem>> -> memref<64xf32, #tpu.memory_space<vmem>>
        %dma_start3A_724 = arith.constant 0 : i32
        %dma_start3A_725 = tpu.memref_slice %arg5[%squeeze3A_710, %dma_start3A_724] : memref<1000001x64xf32, #tpu.memory_space<hbm>> -> memref<1x64xf32, #tpu.memory_space<hbm>>
        %dma_start3A_726 = tpu.memref_squeeze %dma_start3A_725 : memref<1x64xf32, #tpu.memory_space<hbm>> -> memref<64xf32, #tpu.memory_space<hbm>>
        tpu.enqueue_dma source(%dma_start3A_726 : memref<64xf32, #tpu.memory_space<hbm>>) target(%dma_start3A_723 : memref<64xf32, #tpu.memory_space<vmem>>) target_semaphore(%arg14 : memref<!tpu.dma_semaphore, #tpu.memory_space<semaphore_mem>>)
        %slice3A_727 = vector.extract_strided_slice %get3A_618 {offsets = [6], sizes = [1], strides = [1]} : vector<16xi32> to vector<1xi32>
        %squeeze3A_728 = vector.extract %slice3A_727[0] : i32 from vector<1xi32>
        %mul3A_729 = arith.constant 16 : i32
        %mul3A_730 = arith.muli %scan3A_36, %mul3A_729 : i32
        %add3A_731 = arith.constant 6 : i32
        %add3A_732 = arith.addi %mul3A_730, %add3A_731 : i32
        %dma_start3A_733 = arith.constant 0 : i32
        %dma_start3A_734 = tpu.memref_slice %arg13[%add3A_732, %dma_start3A_733] : memref<128x64xf32, #tpu.memory_space<vmem>> -> memref<1x64xf32, #tpu.memory_space<vmem>>
        %dma_start3A_735 = tpu.memref_squeeze %dma_start3A_734 : memref<1x64xf32, #tpu.memory_space<vmem>> -> memref<64xf32, #tpu.memory_space<vmem>>
        %dma_start3A_736 = arith.constant 0 : i32
        %dma_start3A_737 = tpu.memref_slice %arg5[%squeeze3A_728, %dma_start3A_736] : memref<1000001x64xf32, #tpu.memory_space<hbm>> -> memref<1x64xf32, #tpu.memory_space<hbm>>
        %dma_start3A_738 = tpu.memref_squeeze %dma_start3A_737 : memref<1x64xf32, #tpu.memory_space<hbm>> -> memref<64xf32, #tpu.memory_space<hbm>>
        %dma_start3A_739 = arith.constant 0 : i32
        %dma_start3A_740 = tpu.memref_slice %arg13[%add3A_732, %dma_start3A_739] : memref<128x64xf32, #tpu.memory_space<vmem>> -> memref<1x64xf32, #tpu.memory_space<vmem>>
        %dma_start3A_741 = tpu.memref_squeeze %dma_start3A_740 : memref<1x64xf32, #tpu.memory_space<vmem>> -> memref<64xf32, #tpu.memory_space<vmem>>
        %dma_start3A_742 = arith.constant 0 : i32
        %dma_start3A_743 = tpu.memref_slice %arg5[%squeeze3A_728, %dma_start3A_742] : memref<1000001x64xf32, #tpu.memory_space<hbm>> -> memref<1x64xf32, #tpu.memory_space<hbm>>
        %dma_start3A_744 = tpu.memref_squeeze %dma_start3A_743 : memref<1x64xf32, #tpu.memory_space<hbm>> -> memref<64xf32, #tpu.memory_space<hbm>>
        tpu.enqueue_dma source(%dma_start3A_744 : memref<64xf32, #tpu.memory_space<hbm>>) target(%dma_start3A_741 : memref<64xf32, #tpu.memory_space<vmem>>) target_semaphore(%arg14 : memref<!tpu.dma_semaphore, #tpu.memory_space<semaphore_mem>>)
        %slice3A_745 = vector.extract_strided_slice %get3A_618 {offsets = [7], sizes = [1], strides = [1]} : vector<16xi32> to vector<1xi32>
        %squeeze3A_746 = vector.extract %slice3A_745[0] : i32 from vector<1xi32>
        %mul3A_747 = arith.constant 16 : i32
        %mul3A_748 = arith.muli %scan3A_36, %mul3A_747 : i32
        %add3A_749 = arith.constant 7 : i32
        %add3A_750 = arith.addi %mul3A_748, %add3A_749 : i32
        %dma_start3A_751 = arith.constant 0 : i32
        %dma_start3A_752 = tpu.memref_slice %arg13[%add3A_750, %dma_start3A_751] : memref<128x64xf32, #tpu.memory_space<vmem>> -> memref<1x64xf32, #tpu.memory_space<vmem>>
        %dma_start3A_753 = tpu.memref_squeeze %dma_start3A_752 : memref<1x64xf32, #tpu.memory_space<vmem>> -> memref<64xf32, #tpu.memory_space<vmem>>
        %dma_start3A_754 = arith.constant 0 : i32
        %dma_start3A_755 = tpu.memref_slice %arg5[%squeeze3A_746, %dma_start3A_754] : memref<1000001x64xf32, #tpu.memory_space<hbm>> -> memref<1x64xf32, #tpu.memory_space<hbm>>
        %dma_start3A_756 = tpu.memref_squeeze %dma_start3A_755 : memref<1x64xf32, #tpu.memory_space<hbm>> -> memref<64xf32, #tpu.memory_space<hbm>>
        %dma_start3A_757 = arith.constant 0 : i32
        %dma_start3A_758 = tpu.memref_slice %arg13[%add3A_750, %dma_start3A_757] : memref<128x64xf32, #tpu.memory_space<vmem>> -> memref<1x64xf32, #tpu.memory_space<vmem>>
        %dma_start3A_759 = tpu.memref_squeeze %dma_start3A_758 : memref<1x64xf32, #tpu.memory_space<vmem>> -> memref<64xf32, #tpu.memory_space<vmem>>
        %dma_start3A_760 = arith.constant 0 : i32
        %dma_start3A_761 = tpu.memref_slice %arg5[%squeeze3A_746, %dma_start3A_760] : memref<1000001x64xf32, #tpu.memory_space<hbm>> -> memref<1x64xf32, #tpu.memory_space<hbm>>
        %dma_start3A_762 = tpu.memref_squeeze %dma_start3A_761 : memref<1x64xf32, #tpu.memory_space<hbm>> -> memref<64xf32, #tpu.memory_space<hbm>>
        tpu.enqueue_dma source(%dma_start3A_762 : memref<64xf32, #tpu.memory_space<hbm>>) target(%dma_start3A_759 : memref<64xf32, #tpu.memory_space<vmem>>) target_semaphore(%arg14 : memref<!tpu.dma_semaphore, #tpu.memory_space<semaphore_mem>>)
        %slice3A_763 = vector.extract_strided_slice %get3A_618 {offsets = [8], sizes = [1], strides = [1]} : vector<16xi32> to vector<1xi32>
        %squeeze3A_764 = vector.extract %slice3A_763[0] : i32 from vector<1xi32>
        %mul3A_765 = arith.constant 16 : i32
        %mul3A_766 = arith.muli %scan3A_36, %mul3A_765 : i32
        %add3A_767 = arith.constant 8 : i32
        %add3A_768 = arith.addi %mul3A_766, %add3A_767 : i32
        %dma_start3A_769 = arith.constant 0 : i32
        %dma_start3A_770 = tpu.memref_slice %arg13[%add3A_768, %dma_start3A_769] : memref<128x64xf32, #tpu.memory_space<vmem>> -> memref<1x64xf32, #tpu.memory_space<vmem>>
        %dma_start3A_771 = tpu.memref_squeeze %dma_start3A_770 : memref<1x64xf32, #tpu.memory_space<vmem>> -> memref<64xf32, #tpu.memory_space<vmem>>
        %dma_start3A_772 = arith.constant 0 : i32
        %dma_start3A_773 = tpu.memref_slice %arg5[%squeeze3A_764, %dma_start3A_772] : memref<1000001x64xf32, #tpu.memory_space<hbm>> -> memref<1x64xf32, #tpu.memory_space<hbm>>
        %dma_start3A_774 = tpu.memref_squeeze %dma_start3A_773 : memref<1x64xf32, #tpu.memory_space<hbm>> -> memref<64xf32, #tpu.memory_space<hbm>>
        %dma_start3A_775 = arith.constant 0 : i32
        %dma_start3A_776 = tpu.memref_slice %arg13[%add3A_768, %dma_start3A_775] : memref<128x64xf32, #tpu.memory_space<vmem>> -> memref<1x64xf32, #tpu.memory_space<vmem>>
        %dma_start3A_777 = tpu.memref_squeeze %dma_start3A_776 : memref<1x64xf32, #tpu.memory_space<vmem>> -> memref<64xf32, #tpu.memory_space<vmem>>
        %dma_start3A_778 = arith.constant 0 : i32
        %dma_start3A_779 = tpu.memref_slice %arg5[%squeeze3A_764, %dma_start3A_778] : memref<1000001x64xf32, #tpu.memory_space<hbm>> -> memref<1x64xf32, #tpu.memory_space<hbm>>
        %dma_start3A_780 = tpu.memref_squeeze %dma_start3A_779 : memref<1x64xf32, #tpu.memory_space<hbm>> -> memref<64xf32, #tpu.memory_space<hbm>>
        tpu.enqueue_dma source(%dma_start3A_780 : memref<64xf32, #tpu.memory_space<hbm>>) target(%dma_start3A_777 : memref<64xf32, #tpu.memory_space<vmem>>) target_semaphore(%arg14 : memref<!tpu.dma_semaphore, #tpu.memory_space<semaphore_mem>>)
        %slice3A_781 = vector.extract_strided_slice %get3A_618 {offsets = [9], sizes = [1], strides = [1]} : vector<16xi32> to vector<1xi32>
        %squeeze3A_782 = vector.extract %slice3A_781[0] : i32 from vector<1xi32>
        %mul3A_783 = arith.constant 16 : i32
        %mul3A_784 = arith.muli %scan3A_36, %mul3A_783 : i32
        %add3A_785 = arith.constant 9 : i32
        %add3A_786 = arith.addi %mul3A_784, %add3A_785 : i32
        %dma_start3A_787 = arith.constant 0 : i32
        %dma_start3A_788 = tpu.memref_slice %arg13[%add3A_786, %dma_start3A_787] : memref<128x64xf32, #tpu.memory_space<vmem>> -> memref<1x64xf32, #tpu.memory_space<vmem>>
        %dma_start3A_789 = tpu.memref_squeeze %dma_start3A_788 : memref<1x64xf32, #tpu.memory_space<vmem>> -> memref<64xf32, #tpu.memory_space<vmem>>
        %dma_start3A_790 = arith.constant 0 : i32
        %dma_start3A_791 = tpu.memref_slice %arg5[%squeeze3A_782, %dma_start3A_790] : memref<1000001x64xf32, #tpu.memory_space<hbm>> -> memref<1x64xf32, #tpu.memory_space<hbm>>
        %dma_start3A_792 = tpu.memref_squeeze %dma_start3A_791 : memref<1x64xf32, #tpu.memory_space<hbm>> -> memref<64xf32, #tpu.memory_space<hbm>>
        %dma_start3A_793 = arith.constant 0 : i32
        %dma_start3A_794 = tpu.memref_slice %arg13[%add3A_786, %dma_start3A_793] : memref<128x64xf32, #tpu.memory_space<vmem>> -> memref<1x64xf32, #tpu.memory_space<vmem>>
        %dma_start3A_795 = tpu.memref_squeeze %dma_start3A_794 : memref<1x64xf32, #tpu.memory_space<vmem>> -> memref<64xf32, #tpu.memory_space<vmem>>
        %dma_start3A_796 = arith.constant 0 : i32
        %dma_start3A_797 = tpu.memref_slice %arg5[%squeeze3A_782, %dma_start3A_796] : memref<1000001x64xf32, #tpu.memory_space<hbm>> -> memref<1x64xf32, #tpu.memory_space<hbm>>
        %dma_start3A_798 = tpu.memref_squeeze %dma_start3A_797 : memref<1x64xf32, #tpu.memory_space<hbm>> -> memref<64xf32, #tpu.memory_space<hbm>>
        tpu.enqueue_dma source(%dma_start3A_798 : memref<64xf32, #tpu.memory_space<hbm>>) target(%dma_start3A_795 : memref<64xf32, #tpu.memory_space<vmem>>) target_semaphore(%arg14 : memref<!tpu.dma_semaphore, #tpu.memory_space<semaphore_mem>>)
        %slice3A_799 = vector.extract_strided_slice %get3A_618 {offsets = [10], sizes = [1], strides = [1]} : vector<16xi32> to vector<1xi32>
        %squeeze3A_800 = vector.extract %slice3A_799[0] : i32 from vector<1xi32>
        %mul3A_801 = arith.constant 16 : i32
        %mul3A_802 = arith.muli %scan3A_36, %mul3A_801 : i32
        %add3A_803 = arith.constant 10 : i32
        %add3A_804 = arith.addi %mul3A_802, %add3A_803 : i32
        %dma_start3A_805 = arith.constant 0 : i32
        %dma_start3A_806 = tpu.memref_slice %arg13[%add3A_804, %dma_start3A_805] : memref<128x64xf32, #tpu.memory_space<vmem>> -> memref<1x64xf32, #tpu.memory_space<vmem>>
        %dma_start3A_807 = tpu.memref_squeeze %dma_start3A_806 : memref<1x64xf32, #tpu.memory_space<vmem>> -> memref<64xf32, #tpu.memory_space<vmem>>
        %dma_start3A_808 = arith.constant 0 : i32
        %dma_start3A_809 = tpu.memref_slice %arg5[%squeeze3A_800, %dma_start3A_808] : memref<1000001x64xf32, #tpu.memory_space<hbm>> -> memref<1x64xf32, #tpu.memory_space<hbm>>
        %dma_start3A_810 = tpu.memref_squeeze %dma_start3A_809 : memref<1x64xf32, #tpu.memory_space<hbm>> -> memref<64xf32, #tpu.memory_space<hbm>>
        %dma_start3A_811 = arith.constant 0 : i32
        %dma_start3A_812 = tpu.memref_slice %arg13[%add3A_804, %dma_start3A_811] : memref<128x64xf32, #tpu.memory_space<vmem>> -> memref<1x64xf32, #tpu.memory_space<vmem>>
        %dma_start3A_813 = tpu.memref_squeeze %dma_start3A_812 : memref<1x64xf32, #tpu.memory_space<vmem>> -> memref<64xf32, #tpu.memory_space<vmem>>
        %dma_start3A_814 = arith.constant 0 : i32
        %dma_start3A_815 = tpu.memref_slice %arg5[%squeeze3A_800, %dma_start3A_814] : memref<1000001x64xf32, #tpu.memory_space<hbm>> -> memref<1x64xf32, #tpu.memory_space<hbm>>
        %dma_start3A_816 = tpu.memref_squeeze %dma_start3A_815 : memref<1x64xf32, #tpu.memory_space<hbm>> -> memref<64xf32, #tpu.memory_space<hbm>>
        tpu.enqueue_dma source(%dma_start3A_816 : memref<64xf32, #tpu.memory_space<hbm>>) target(%dma_start3A_813 : memref<64xf32, #tpu.memory_space<vmem>>) target_semaphore(%arg14 : memref<!tpu.dma_semaphore, #tpu.memory_space<semaphore_mem>>)
        %slice3A_817 = vector.extract_strided_slice %get3A_618 {offsets = [11], sizes = [1], strides = [1]} : vector<16xi32> to vector<1xi32>
        %squeeze3A_818 = vector.extract %slice3A_817[0] : i32 from vector<1xi32>
        %mul3A_819 = arith.constant 16 : i32
        %mul3A_820 = arith.muli %scan3A_36, %mul3A_819 : i32
        %add3A_821 = arith.constant 11 : i32
        %add3A_822 = arith.addi %mul3A_820, %add3A_821 : i32
        %dma_start3A_823 = arith.constant 0 : i32
        %dma_start3A_824 = tpu.memref_slice %arg13[%add3A_822, %dma_start3A_823] : memref<128x64xf32, #tpu.memory_space<vmem>> -> memref<1x64xf32, #tpu.memory_space<vmem>>
        %dma_start3A_825 = tpu.memref_squeeze %dma_start3A_824 : memref<1x64xf32, #tpu.memory_space<vmem>> -> memref<64xf32, #tpu.memory_space<vmem>>
        %dma_start3A_826 = arith.constant 0 : i32
        %dma_start3A_827 = tpu.memref_slice %arg5[%squeeze3A_818, %dma_start3A_826] : memref<1000001x64xf32, #tpu.memory_space<hbm>> -> memref<1x64xf32, #tpu.memory_space<hbm>>
        %dma_start3A_828 = tpu.memref_squeeze %dma_start3A_827 : memref<1x64xf32, #tpu.memory_space<hbm>> -> memref<64xf32, #tpu.memory_space<hbm>>
        %dma_start3A_829 = arith.constant 0 : i32
        %dma_start3A_830 = tpu.memref_slice %arg13[%add3A_822, %dma_start3A_829] : memref<128x64xf32, #tpu.memory_space<vmem>> -> memref<1x64xf32, #tpu.memory_space<vmem>>
        %dma_start3A_831 = tpu.memref_squeeze %dma_start3A_830 : memref<1x64xf32, #tpu.memory_space<vmem>> -> memref<64xf32, #tpu.memory_space<vmem>>
        %dma_start3A_832 = arith.constant 0 : i32
        %dma_start3A_833 = tpu.memref_slice %arg5[%squeeze3A_818, %dma_start3A_832] : memref<1000001x64xf32, #tpu.memory_space<hbm>> -> memref<1x64xf32, #tpu.memory_space<hbm>>
        %dma_start3A_834 = tpu.memref_squeeze %dma_start3A_833 : memref<1x64xf32, #tpu.memory_space<hbm>> -> memref<64xf32, #tpu.memory_space<hbm>>
        tpu.enqueue_dma source(%dma_start3A_834 : memref<64xf32, #tpu.memory_space<hbm>>) target(%dma_start3A_831 : memref<64xf32, #tpu.memory_space<vmem>>) target_semaphore(%arg14 : memref<!tpu.dma_semaphore, #tpu.memory_space<semaphore_mem>>)
        %slice3A_835 = vector.extract_strided_slice %get3A_618 {offsets = [12], sizes = [1], strides = [1]} : vector<16xi32> to vector<1xi32>
        %squeeze3A_836 = vector.extract %slice3A_835[0] : i32 from vector<1xi32>
        %mul3A_837 = arith.constant 16 : i32
        %mul3A_838 = arith.muli %scan3A_36, %mul3A_837 : i32
        %add3A_839 = arith.constant 12 : i32
        %add3A_840 = arith.addi %mul3A_838, %add3A_839 : i32
        %dma_start3A_841 = arith.constant 0 : i32
        %dma_start3A_842 = tpu.memref_slice %arg13[%add3A_840, %dma_start3A_841] : memref<128x64xf32, #tpu.memory_space<vmem>> -> memref<1x64xf32, #tpu.memory_space<vmem>>
        %dma_start3A_843 = tpu.memref_squeeze %dma_start3A_842 : memref<1x64xf32, #tpu.memory_space<vmem>> -> memref<64xf32, #tpu.memory_space<vmem>>
        %dma_start3A_844 = arith.constant 0 : i32
        %dma_start3A_845 = tpu.memref_slice %arg5[%squeeze3A_836, %dma_start3A_844] : memref<1000001x64xf32, #tpu.memory_space<hbm>> -> memref<1x64xf32, #tpu.memory_space<hbm>>
        %dma_start3A_846 = tpu.memref_squeeze %dma_start3A_845 : memref<1x64xf32, #tpu.memory_space<hbm>> -> memref<64xf32, #tpu.memory_space<hbm>>
        %dma_start3A_847 = arith.constant 0 : i32
        %dma_start3A_848 = tpu.memref_slice %arg13[%add3A_840, %dma_start3A_847] : memref<128x64xf32, #tpu.memory_space<vmem>> -> memref<1x64xf32, #tpu.memory_space<vmem>>
        %dma_start3A_849 = tpu.memref_squeeze %dma_start3A_848 : memref<1x64xf32, #tpu.memory_space<vmem>> -> memref<64xf32, #tpu.memory_space<vmem>>
        %dma_start3A_850 = arith.constant 0 : i32
        %dma_start3A_851 = tpu.memref_slice %arg5[%squeeze3A_836, %dma_start3A_850] : memref<1000001x64xf32, #tpu.memory_space<hbm>> -> memref<1x64xf32, #tpu.memory_space<hbm>>
        %dma_start3A_852 = tpu.memref_squeeze %dma_start3A_851 : memref<1x64xf32, #tpu.memory_space<hbm>> -> memref<64xf32, #tpu.memory_space<hbm>>
        tpu.enqueue_dma source(%dma_start3A_852 : memref<64xf32, #tpu.memory_space<hbm>>) target(%dma_start3A_849 : memref<64xf32, #tpu.memory_space<vmem>>) target_semaphore(%arg14 : memref<!tpu.dma_semaphore, #tpu.memory_space<semaphore_mem>>)
        %slice3A_853 = vector.extract_strided_slice %get3A_618 {offsets = [13], sizes = [1], strides = [1]} : vector<16xi32> to vector<1xi32>
        %squeeze3A_854 = vector.extract %slice3A_853[0] : i32 from vector<1xi32>
        %mul3A_855 = arith.constant 16 : i32
        %mul3A_856 = arith.muli %scan3A_36, %mul3A_855 : i32
        %add3A_857 = arith.constant 13 : i32
        %add3A_858 = arith.addi %mul3A_856, %add3A_857 : i32
        %dma_start3A_859 = arith.constant 0 : i32
        %dma_start3A_860 = tpu.memref_slice %arg13[%add3A_858, %dma_start3A_859] : memref<128x64xf32, #tpu.memory_space<vmem>> -> memref<1x64xf32, #tpu.memory_space<vmem>>
        %dma_start3A_861 = tpu.memref_squeeze %dma_start3A_860 : memref<1x64xf32, #tpu.memory_space<vmem>> -> memref<64xf32, #tpu.memory_space<vmem>>
        %dma_start3A_862 = arith.constant 0 : i32
        %dma_start3A_863 = tpu.memref_slice %arg5[%squeeze3A_854, %dma_start3A_862] : memref<1000001x64xf32, #tpu.memory_space<hbm>> -> memref<1x64xf32, #tpu.memory_space<hbm>>
        %dma_start3A_864 = tpu.memref_squeeze %dma_start3A_863 : memref<1x64xf32, #tpu.memory_space<hbm>> -> memref<64xf32, #tpu.memory_space<hbm>>
        %dma_start3A_865 = arith.constant 0 : i32
        %dma_start3A_866 = tpu.memref_slice %arg13[%add3A_858, %dma_start3A_865] : memref<128x64xf32, #tpu.memory_space<vmem>> -> memref<1x64xf32, #tpu.memory_space<vmem>>
        %dma_start3A_867 = tpu.memref_squeeze %dma_start3A_866 : memref<1x64xf32, #tpu.memory_space<vmem>> -> memref<64xf32, #tpu.memory_space<vmem>>
        %dma_start3A_868 = arith.constant 0 : i32
        %dma_start3A_869 = tpu.memref_slice %arg5[%squeeze3A_854, %dma_start3A_868] : memref<1000001x64xf32, #tpu.memory_space<hbm>> -> memref<1x64xf32, #tpu.memory_space<hbm>>
        %dma_start3A_870 = tpu.memref_squeeze %dma_start3A_869 : memref<1x64xf32, #tpu.memory_space<hbm>> -> memref<64xf32, #tpu.memory_space<hbm>>
        tpu.enqueue_dma source(%dma_start3A_870 : memref<64xf32, #tpu.memory_space<hbm>>) target(%dma_start3A_867 : memref<64xf32, #tpu.memory_space<vmem>>) target_semaphore(%arg14 : memref<!tpu.dma_semaphore, #tpu.memory_space<semaphore_mem>>)
        %slice3A_871 = vector.extract_strided_slice %get3A_618 {offsets = [14], sizes = [1], strides = [1]} : vector<16xi32> to vector<1xi32>
        %squeeze3A_872 = vector.extract %slice3A_871[0] : i32 from vector<1xi32>
        %mul3A_873 = arith.constant 16 : i32
        %mul3A_874 = arith.muli %scan3A_36, %mul3A_873 : i32
        %add3A_875 = arith.constant 14 : i32
        %add3A_876 = arith.addi %mul3A_874, %add3A_875 : i32
        %dma_start3A_877 = arith.constant 0 : i32
        %dma_start3A_878 = tpu.memref_slice %arg13[%add3A_876, %dma_start3A_877] : memref<128x64xf32, #tpu.memory_space<vmem>> -> memref<1x64xf32, #tpu.memory_space<vmem>>
        %dma_start3A_879 = tpu.memref_squeeze %dma_start3A_878 : memref<1x64xf32, #tpu.memory_space<vmem>> -> memref<64xf32, #tpu.memory_space<vmem>>
        %dma_start3A_880 = arith.constant 0 : i32
        %dma_start3A_881 = tpu.memref_slice %arg5[%squeeze3A_872, %dma_start3A_880] : memref<1000001x64xf32, #tpu.memory_space<hbm>> -> memref<1x64xf32, #tpu.memory_space<hbm>>
        %dma_start3A_882 = tpu.memref_squeeze %dma_start3A_881 : memref<1x64xf32, #tpu.memory_space<hbm>> -> memref<64xf32, #tpu.memory_space<hbm>>
        %dma_start3A_883 = arith.constant 0 : i32
        %dma_start3A_884 = tpu.memref_slice %arg13[%add3A_876, %dma_start3A_883] : memref<128x64xf32, #tpu.memory_space<vmem>> -> memref<1x64xf32, #tpu.memory_space<vmem>>
        %dma_start3A_885 = tpu.memref_squeeze %dma_start3A_884 : memref<1x64xf32, #tpu.memory_space<vmem>> -> memref<64xf32, #tpu.memory_space<vmem>>
        %dma_start3A_886 = arith.constant 0 : i32
        %dma_start3A_887 = tpu.memref_slice %arg5[%squeeze3A_872, %dma_start3A_886] : memref<1000001x64xf32, #tpu.memory_space<hbm>> -> memref<1x64xf32, #tpu.memory_space<hbm>>
        %dma_start3A_888 = tpu.memref_squeeze %dma_start3A_887 : memref<1x64xf32, #tpu.memory_space<hbm>> -> memref<64xf32, #tpu.memory_space<hbm>>
        tpu.enqueue_dma source(%dma_start3A_888 : memref<64xf32, #tpu.memory_space<hbm>>) target(%dma_start3A_885 : memref<64xf32, #tpu.memory_space<vmem>>) target_semaphore(%arg14 : memref<!tpu.dma_semaphore, #tpu.memory_space<semaphore_mem>>)
        %slice3A_889 = vector.extract_strided_slice %get3A_618 {offsets = [15], sizes = [1], strides = [1]} : vector<16xi32> to vector<1xi32>
        %squeeze3A_890 = vector.extract %slice3A_889[0] : i32 from vector<1xi32>
        %mul3A_891 = arith.constant 16 : i32
        %mul3A_892 = arith.muli %scan3A_36, %mul3A_891 : i32
        %add3A_893 = arith.constant 15 : i32
        %add3A_894 = arith.addi %mul3A_892, %add3A_893 : i32
        %dma_start3A_895 = arith.constant 0 : i32
        %dma_start3A_896 = tpu.memref_slice %arg13[%add3A_894, %dma_start3A_895] : memref<128x64xf32, #tpu.memory_space<vmem>> -> memref<1x64xf32, #tpu.memory_space<vmem>>
        %dma_start3A_897 = tpu.memref_squeeze %dma_start3A_896 : memref<1x64xf32, #tpu.memory_space<vmem>> -> memref<64xf32, #tpu.memory_space<vmem>>
        %dma_start3A_898 = arith.constant 0 : i32
        %dma_start3A_899 = tpu.memref_slice %arg5[%squeeze3A_890, %dma_start3A_898] : memref<1000001x64xf32, #tpu.memory_space<hbm>> -> memref<1x64xf32, #tpu.memory_space<hbm>>
        %dma_start3A_900 = tpu.memref_squeeze %dma_start3A_899 : memref<1x64xf32, #tpu.memory_space<hbm>> -> memref<64xf32, #tpu.memory_space<hbm>>
        %dma_start3A_901 = arith.constant 0 : i32
        %dma_start3A_902 = tpu.memref_slice %arg13[%add3A_894, %dma_start3A_901] : memref<128x64xf32, #tpu.memory_space<vmem>> -> memref<1x64xf32, #tpu.memory_space<vmem>>
        %dma_start3A_903 = tpu.memref_squeeze %dma_start3A_902 : memref<1x64xf32, #tpu.memory_space<vmem>> -> memref<64xf32, #tpu.memory_space<vmem>>
        %dma_start3A_904 = arith.constant 0 : i32
        %dma_start3A_905 = tpu.memref_slice %arg5[%squeeze3A_890, %dma_start3A_904] : memref<1000001x64xf32, #tpu.memory_space<hbm>> -> memref<1x64xf32, #tpu.memory_space<hbm>>
        %dma_start3A_906 = tpu.memref_squeeze %dma_start3A_905 : memref<1x64xf32, #tpu.memory_space<hbm>> -> memref<64xf32, #tpu.memory_space<hbm>>
        tpu.enqueue_dma source(%dma_start3A_906 : memref<64xf32, #tpu.memory_space<hbm>>) target(%dma_start3A_903 : memref<64xf32, #tpu.memory_space<vmem>>) target_semaphore(%arg14 : memref<!tpu.dma_semaphore, #tpu.memory_space<semaphore_mem>>)
        %scan3A_907 = arith.constant 0 : i32
        scf.yield %scan3A_907 : i32
      }
      %scan3A_19 = arith.constant 8 : i32
      %scan3A_20 = arith.constant 0 : i32
      %scan3A_21 = arith.constant 0 : i32
      %scan3A_22 = arith.constant 384 : i32
      %scan3A_23 = arith.addi %scan3A_21, %scan3A_22 : i32
      %scan3A_24 = arith.constant 1 : i32
      %scan3A_25 = scf.for %scan3A_36 = %scan3A_21 to %scan3A_23 step %scan3A_24 iter_args(%scan3A_37 = %scan3A_20) -> (i32)  : i32 {
        %dma_wait3A = arith.constant 0 : i32
        %dma_wait3A_38 = arith.constant 0 : i32
        %dma_wait3A_39 = arith.constant 0 : i32
        %dma_wait3A_40 = tpu.memref_slice %arg11[%dma_wait3A_38, %dma_wait3A_39] : memref<128x64xf32, #tpu.memory_space<vmem>> -> memref<1x64xf32, #tpu.memory_space<vmem>>
        %dma_wait3A_41 = tpu.memref_squeeze %dma_wait3A_40 : memref<1x64xf32, #tpu.memory_space<vmem>> -> memref<64xf32, #tpu.memory_space<vmem>>
        %dma_wait3A_42 = arith.constant 0 : i32
        %dma_wait3A_43 = tpu.memref_slice %arg6[%dma_wait3A, %dma_wait3A_42] : memref<1000003x64xf32, #tpu.memory_space<hbm>> -> memref<1x64xf32, #tpu.memory_space<hbm>>
        %dma_wait3A_44 = tpu.memref_squeeze %dma_wait3A_43 : memref<1x64xf32, #tpu.memory_space<hbm>> -> memref<64xf32, #tpu.memory_space<hbm>>
        %dma_wait3A_45 = arith.constant 0 : i32
        %dma_wait3A_46 = tpu.memref_slice %arg11[%dma_wait3A_38, %dma_wait3A_45] : memref<128x64xf32, #tpu.memory_space<vmem>> -> memref<1x64xf32, #tpu.memory_space<vmem>>
        %dma_wait3A_47 = tpu.memref_squeeze %dma_wait3A_46 : memref<1x64xf32, #tpu.memory_space<vmem>> -> memref<64xf32, #tpu.memory_space<vmem>>
        %dma_wait3A_48 = arith.constant 0 : i32
        %dma_wait3A_49 = tpu.memref_slice %arg6[%dma_wait3A, %dma_wait3A_48] : memref<1000003x64xf32, #tpu.memory_space<hbm>> -> memref<1x64xf32, #tpu.memory_space<hbm>>
        %dma_wait3A_50 = tpu.memref_squeeze %dma_wait3A_49 : memref<1x64xf32, #tpu.memory_space<hbm>> -> memref<64xf32, #tpu.memory_space<hbm>>
        tpu.wait_dma2 semaphore(%arg14 : memref<!tpu.dma_semaphore, #tpu.memory_space<semaphore_mem>>) src(%dma_wait3A_50 : memref<64xf32, #tpu.memory_space<hbm>>) dst(%dma_wait3A_47 : memref<64xf32, #tpu.memory_space<vmem>>)
        %scan3A_51 = arith.constant 0 : i32
        scf.yield %scan3A_51 : i32
      }
      %scan3A_26 = arith.constant 384 : i32
      %scan3A_27 = arith.constant 0 : i32
      %scan3A_28 = arith.constant 0 : i32
      %scan3A_29 = arith.constant 128 : i32
      %scan3A_30 = arith.addi %scan3A_28, %scan3A_29 : i32
      %scan3A_31 = arith.constant 1 : i32
      %scan3A_32 = scf.for %scan3A_36 = %scan3A_28 to %scan3A_30 step %scan3A_31 iter_args(%scan3A_37 = %scan3A_27) -> (i32)  : i32 {
        %get3A = arith.index_cast %scan3A_36 : i32 to index
        %get3A_38 = arith.constant 0 : index
        %get3A_39 = tpu.vector_load %arg11[%get3A, %get3A_38] {strides = array<i32>} : memref<128x64xf32, #tpu.memory_space<vmem>>, vector<16xf32>,
        %get3A_40 = arith.index_cast %scan3A_36 : i32 to index
        %get3A_41 = arith.constant 0 : index
        %get3A_42 = tpu.vector_load %arg12[%get3A_40, %get3A_41] {strides = array<i32>} : memref<128x64xf32, #tpu.memory_space<vmem>>, vector<16xf32>,
        %add3A_43 = arith.addf %get3A_39, %get3A_42 : vector<16xf32>
        %get3A_44 = arith.index_cast %scan3A_36 : i32 to index
        %get3A_45 = arith.constant 0 : index
        %get3A_46 = tpu.vector_load %arg13[%get3A_44, %get3A_45] {strides = array<i32>} : memref<128x64xf32, #tpu.memory_space<vmem>>, vector<16xf32>,
        %sub3A = arith.subf %add3A_43, %get3A_46 : vector<16xf32>
        %swap3A = arith.index_cast %scan3A_36 : i32 to index
        %swap3A_47 = arith.constant 0 : index
        %swap3A_48 = tpu.vector_load %arg11[%swap3A, %swap3A_47] {strides = array<i32>} : memref<128x64xf32, #tpu.memory_space<vmem>>, vector<16xf32>,
        tpu.vector_store %arg11[%swap3A, %swap3A_47], %sub3A {strides = array<i32>} : memref<128x64xf32, #tpu.memory_space<vmem>>, vector<16xf32>,
        %get3A_49 = arith.index_cast %scan3A_36 : i32 to index
        %get3A_50 = arith.constant 16 : index
        %get3A_51 = tpu.vector_load %arg11[%get3A_49, %get3A_50] {strides = array<i32>} : memref<128x64xf32, #tpu.memory_space<vmem>>, vector<16xf32>,
        %get3A_52 = arith.index_cast %scan3A_36 : i32 to index
        %get3A_53 = arith.constant 16 : index
        %get3A_54 = tpu.vector_load %arg12[%get3A_52, %get3A_53] {strides = array<i32>} : memref<128x64xf32, #tpu.memory_space<vmem>>, vector<16xf32>,
        %add3A_55 = arith.addf %get3A_51, %get3A_54 : vector<16xf32>
        %get3A_56 = arith.index_cast %scan3A_36 : i32 to index
        %get3A_57 = arith.constant 16 : index
        %get3A_58 = tpu.vector_load %arg13[%get3A_56, %get3A_57] {strides = array<i32>} : memref<128x64xf32, #tpu.memory_space<vmem>>, vector<16xf32>,
        %sub3A_59 = arith.subf %add3A_55, %get3A_58 : vector<16xf32>
        %swap3A_60 = arith.index_cast %scan3A_36 : i32 to index
        %swap3A_61 = arith.constant 16 : index
        %swap3A_62 = tpu.vector_load %arg11[%swap3A_60, %swap3A_61] {strides = array<i32>} : memref<128x64xf32, #tpu.memory_space<vmem>>, vector<16xf32>,
        tpu.vector_store %arg11[%swap3A_60, %swap3A_61], %sub3A_59 {strides = array<i32>} : memref<128x64xf32, #tpu.memory_space<vmem>>, vector<16xf32>,
        %get3A_63 = arith.index_cast %scan3A_36 : i32 to index
        %get3A_64 = arith.constant 32 : index
        %get3A_65 = tpu.vector_load %arg11[%get3A_63, %get3A_64] {strides = array<i32>} : memref<128x64xf32, #tpu.memory_space<vmem>>, vector<16xf32>,
        %get3A_66 = arith.index_cast %scan3A_36 : i32 to index
        %get3A_67 = arith.constant 32 : index
        %get3A_68 = tpu.vector_load %arg12[%get3A_66, %get3A_67] {strides = array<i32>} : memref<128x64xf32, #tpu.memory_space<vmem>>, vector<16xf32>,
        %add3A_69 = arith.addf %get3A_65, %get3A_68 : vector<16xf32>
        %get3A_70 = arith.index_cast %scan3A_36 : i32 to index
        %get3A_71 = arith.constant 32 : index
        %get3A_72 = tpu.vector_load %arg13[%get3A_70, %get3A_71] {strides = array<i32>} : memref<128x64xf32, #tpu.memory_space<vmem>>, vector<16xf32>,
        %sub3A_73 = arith.subf %add3A_69, %get3A_72 : vector<16xf32>
        %swap3A_74 = arith.index_cast %scan3A_36 : i32 to index
        %swap3A_75 = arith.constant 32 : index
        %swap3A_76 = tpu.vector_load %arg11[%swap3A_74, %swap3A_75] {strides = array<i32>} : memref<128x64xf32, #tpu.memory_space<vmem>>, vector<16xf32>,
        tpu.vector_store %arg11[%swap3A_74, %swap3A_75], %sub3A_73 {strides = array<i32>} : memref<128x64xf32, #tpu.memory_space<vmem>>, vector<16xf32>,
        %get3A_77 = arith.index_cast %scan3A_36 : i32 to index
        %get3A_78 = arith.constant 48 : index
        %get3A_79 = tpu.vector_load %arg11[%get3A_77, %get3A_78] {strides = array<i32>} : memref<128x64xf32, #tpu.memory_space<vmem>>, vector<16xf32>,
        %get3A_80 = arith.index_cast %scan3A_36 : i32 to index
        %get3A_81 = arith.constant 48 : index
        %get3A_82 = tpu.vector_load %arg12[%get3A_80, %get3A_81] {strides = array<i32>} : memref<128x64xf32, #tpu.memory_space<vmem>>, vector<16xf32>,
        %add3A_83 = arith.addf %get3A_79, %get3A_82 : vector<16xf32>
        %get3A_84 = arith.index_cast %scan3A_36 : i32 to index
        %get3A_85 = arith.constant 48 : index
        %get3A_86 = tpu.vector_load %arg13[%get3A_84, %get3A_85] {strides = array<i32>} : memref<128x64xf32, #tpu.memory_space<vmem>>, vector<16xf32>,
        %sub3A_87 = arith.subf %add3A_83, %get3A_86 : vector<16xf32>
        %swap3A_88 = arith.index_cast %scan3A_36 : i32 to index
        %swap3A_89 = arith.constant 48 : index
        %swap3A_90 = tpu.vector_load %arg11[%swap3A_88, %swap3A_89] {strides = array<i32>} : memref<128x64xf32, #tpu.memory_space<vmem>>, vector<16xf32>,
        tpu.vector_store %arg11[%swap3A_88, %swap3A_89], %sub3A_87 {strides = array<i32>} : memref<128x64xf32, #tpu.memory_space<vmem>>, vector<16xf32>,
        %scan3A_91 = arith.constant 0 : i32
        scf.yield %scan3A_91 : i32
      }
      %scan3A_33 = arith.constant 128 : i32
      %add3A_34 = arith.addi %mul3A_2, %multiple_of3A : i32
      "tpu.region"() ({
        %run_scoped3A = tpu.sem_alloc : memref<!tpu.dma_semaphore, #tpu.memory_space<semaphore_mem>>
        %dma_start3A = arith.constant 0 : i32
        %dma_start3A_36 = tpu.memref_slice %arg7[%add3A_34, %dma_start3A] : memref<16384x64xf32, #tpu.memory_space<hbm>> -> memref<128x64xf32, #tpu.memory_space<hbm>>
        %dma_start3A_37 = arith.constant 0 : i32
        %dma_start3A_38 = tpu.memref_slice %arg7[%add3A_34, %dma_start3A_37] : memref<16384x64xf32, #tpu.memory_space<hbm>> -> memref<128x64xf32, #tpu.memory_space<hbm>>
        tpu.enqueue_dma source(%arg11 : memref<128x64xf32, #tpu.memory_space<vmem>>) target(%dma_start3A_38 : memref<128x64xf32, #tpu.memory_space<hbm>>) target_semaphore(%run_scoped3A : memref<!tpu.dma_semaphore, #tpu.memory_space<semaphore_mem>>)
        %dma_wait3A = arith.constant 0 : i32
        %dma_wait3A_39 = tpu.memref_slice %arg7[%add3A_34, %dma_wait3A] : memref<16384x64xf32, #tpu.memory_space<hbm>> -> memref<128x64xf32, #tpu.memory_space<hbm>>
        %dma_wait3A_40 = arith.constant 0 : i32
        %dma_wait3A_41 = tpu.memref_slice %arg7[%add3A_34, %dma_wait3A_40] : memref<16384x64xf32, #tpu.memory_space<hbm>> -> memref<128x64xf32, #tpu.memory_space<hbm>>
        tpu.wait_dma2 semaphore(%run_scoped3A : memref<!tpu.dma_semaphore, #tpu.memory_space<semaphore_mem>>) src(%arg11 : memref<128x64xf32, #tpu.memory_space<vmem>>) dst(%dma_wait3A_41 : memref<128x64xf32, #tpu.memory_space<hbm>>)
        tpu.yield
      }) : () -> ()
      %scan3A_35 = arith.constant 0 : i32
      scf.yield %scan3A_35 : i32
    }
    %scan3A_8 = arith.constant 4 : i32
    return
  }
}

</mosaic_0001>

<sc_bundles>
// kernel: kernel.3.cloned.1.call-start
scs
__scs_entry_jumppad:
0x0: {  	(pc) =	sbr.rel $0x88, $3  }
0x1: {  	(tag) =	ssettag $0x0;
	lr =	simm.s32 $0x1  }
0x2: {  	[smem:$0x3F9E] =	sst lr;
	_ =	strace $0xD0000000  }
0x3: {  	_ = 	snop  }
0x4: {  	_ = 	snop  }
0x5: {  	_ = 	snop  }
0x6: {  	_ = 	snop  }
0x7: {  	_ = 	snop  }
__scs_overlays_trampoline_lowered:
0x8: {  	[smem:$0x3FAD] =	sst s0  }
0x9: {  	[smem:$0x3FAE] =	sst s1  }
0xa: {  	[smem:$0x3FAF] =	sst s2  }
0xb: {  	[smem:$0x3FB0] =	sst s3  }
0xc: {  	[smem:$0x3FB1] =	sst s4  }
0xd: {  	[smem:$0x3FB2] =	sst s5  }
0xe: {  	[smem:$0x3FB3] =	sst s6  }
0xf: {  	[smem:$0x3FB4] =	sst s7  }
0x10: {  	[smem:$0x3FB5] =	sst s8  }
0x11: {  	[smem:$0x3FB6] =	sst s9;
	s0 =	simm.s32 @!p0 $0x0  }
0x12: {  	s1 =	sld [smem:$0x3F9C];
	s0 =	simm.s32 @p0 $0x1  }
0x13: {  	[smem:$0x3FB7] =	sst s0;
	s0 =	simm.s32 @!p1 $0x0  }
0x14: {  	s2 =	sld [smem:$0x3F9B];
	s0 =	simm.s32 @p1 $0x1  }
0x15: {  	[smem:$0x3FB8] =	sst s0;
	s0 =	simm.s32 @!p2 $0x0  }
0x16: {  	s3 =	sld [smem:$0x3FDB];
	s0 =	simm.s32 @p2 $0x1  }
0x17: {  	s4 =	simm.s32 $0x1BF5;
	[smem:$0x3FBA] =	sst s0  }
0x18: {  	s0 =	sld [smem:$0x3F9D];
	_ =	swait.ge [sflag:s4], $0x0  }
0x19: {  	s7 =	sld [smem:$0x3F9E]  }
0x1a: {  	s8 =	sadd.s32 $0xFFFFE003, lr  }
0x1b: {  	s9 =	sadd.s32 $0xFFFFFEF7, lr;
	s5 =	simm.s32 $0xFFFFFFFF;
	p2 =	slt.u32 s8, $0xFFFFF086  }
0x1c: {  	p1 =	slt.u32 s9, $0xF7A;
	s5 =	simm.s32 @!p2 $0x0  }
0x1d: {  	s5 =	simm.s32 @p1 $0x1;
	p0 =	seq.s32 s7, s2  }
0x1e: {  	s7 =	smul.u32 @!p0 $0xF7A, s2;
	p2 =	seq.s32 @!p0 s5, $0x0  }
0x1f: {  	s9 =	smul.u32 $0xF7A, s1;
	s8 =	simm.s32 @!p0 $0x1BF5;
	p2 =	por !p2, p0  }
0x20: {  	[sflag:s8] =	ssyncset.s32 @!p0 $0xFFFFF086;
	s6 =	sadd.s32 @!p0 s3, s7;
	s7 =	simm.s32 @!p0 $0x108  }
0x21: {  	s3 =	sadd.s32 s3, s9;
	s6 =	sadd.s32 @!p0 $0x88, s6;
	s7 =	simm.s32 @p2 $0x1082  }
0x22: {  	[simem:s7], [sflag:s8] =	dma.local @!p0 [hbm:s6], $0xF7A  }
0x23: {  	s9 =	sor.u32 $0xD0000000, s2;
	s6 =	simm.s32 $0x108;
	_ =	swait.ge @!p0 [sflag:s8], $0x0  }
0x24: {  	s3 =	sadd.s32 $0x88, s3;
	s6 =	simm.s32 @!p1 $0x1082;
	[sflag:s4] =	ssyncset.s32 $0xFFFFF086  }
0x25: {  	[simem:s6], [sflag:s4] =	dma.local [hbm:s3], $0xF7A  }
0x26: {  	[smem:$0x3F9E] =	sst s1;
	(tag) =	ssettag s2;
	_ =	strace s9  }
0x27: {  	s1 =	sld [smem:$0x3FAE]  }
0x28: {  	s2 =	sld [smem:$0x3FAF]  }
0x29: {  	s4 =	sld [smem:$0x3FB1]  }
0x2a: {  	p0 =	seq.s32 s5, $0x0;
	s5 =	sld [smem:$0x3FB2]  }
0x2b: {  	s6 =	sld [smem:$0x3FB3]  }
0x2c: {  	s7 =	sld [smem:$0x3FB4]  }
0x2d: {  	s3 =	simm.s32 $0x108;
	s8 =	sld [smem:$0x3FB5]  }
0x2e: {  	s3 =	simm.s32 @!p0 $0x1082;
	s9 =	sld [smem:$0x3FB6]  }
0x2f: {  	lr =	sadd.s32 s0, s3;
	s0 =	sld [smem:$0x3FAD]  }
0x30: {  	s3 =	sld [smem:$0x3FB0]  }
0x31: {  	[smem:$0x3FB9] =	sst s10  }
0x32: {  	s10 =	sld [smem:$0x3FB7];
	_ =	sdelay $0x3  }
0x33: {  	p0 =	seq.s32 s10, $0x1;
	s10 =	sld [smem:$0x3FB9];
	_ =	sdelay $0x3  }
0x34: {  	[smem:$0x3FB9] =	sst s10  }
0x35: {  	s10 =	sld [smem:$0x3FB8];
	_ =	sdelay $0x3  }
0x36: {  	p1 =	seq.s32 s10, $0x1;
	s10 =	sld [smem:$0x3FB9];
	_ =	sdelay $0x3  }
0x37: {  	[smem:$0x3FB9] =	sst s10  }
0x38: {  	s10 =	sld [smem:$0x3FBA]  }
0x39: {  	_ = 	snop;
	(pc) =	sbr.ind lr, $3  }
0x3a: {  	_ = 	snop  }
0x3b: {  	_ = 	snop  }
0x3c: {  	p2 =	seq.s32 s10, $0x1;
	s10 =	sld [smem:$0x3FB9]  }
0x3d: {  	_ =	shalt  }
0x3e: {  	_ =	shalt  }
0x3f: {  	_ =	shalt  }
0x40: {  	_ =	shalt  }
0x41: {  	_ =	shalt  }
0x42: {  	_ =	shalt  }
0x43: {  	_ =	shalt  }
0x44: {  	_ =	shalt  }
0x45: {  	_ =	shalt  }
0x46: {  	_ =	shalt  }
0x47: {  	_ =	shalt  }
0x48: {  	_ =	shalt  }
0x49: {  	_ =	shalt  }
0x4a: {  	_ =	shalt  }
0x4b: {  	_ =	shalt  }
0x4c: {  	_ =	shalt  }
0x4d: {  	_ =	shalt  }
0x4e: {  	_ =	shalt  }
0x4f: {  	_ =	shalt  }
0x50: {  	_ =	shalt  }
0x51: {  	_ =	shalt  }
0x52: {  	_ =	shalt  }
0x53: {  	_ =	shalt  }
0x54: {  	_ =	shalt  }
0x55: {  	_ =	shalt  }
0x56: {  	_ =	shalt  }
0x57: {  	_ =	shalt  }
0x58: {  	_ =	shalt  }
0x59: {  	_ =	shalt  }
0x5a: {  	_ =	shalt  }
0x5b: {  	_ =	shalt  }
0x5c: {  	_ =	shalt  }
0x5d: {  	_ =	shalt  }
0x5e: {  	_ =	shalt  }
0x5f: {  	_ =	shalt  }
0x60: {  	_ =	shalt  }
0x61: {  	_ =	shalt  }
0x62: {  	_ =	shalt  }
0x63: {  	_ =	shalt  }
0x64: {  	_ =	shalt  }
0x65: {  	_ =	shalt  }
0x66: {  	_ =	shalt  }
0x67: {  	_ =	shalt  }
0x68: {  	_ =	shalt  }
0x69: {  	_ =	shalt  }
0x6a: {  	_ =	shalt  }
0x6b: {  	_ =	shalt  }
0x6c: {  	_ =	shalt  }
0x6d: {  	_ =	shalt  }
0x6e: {  	_ =	shalt  }
0x6f: {  	_ =	shalt  }
0x70: {  	_ =	shalt  }
0x71: {  	_ =	shalt  }
0x72: {  	_ =	shalt  }
0x73: {  	_ =	shalt  }
0x74: {  	_ =	shalt  }
0x75: {  	_ =	shalt  }
0x76: {  	_ =	shalt  }
0x77: {  	_ =	shalt  }
0x78: {  	_ =	shalt  }
0x79: {  	_ =	shalt  }
0x7a: {  	_ =	shalt  }
0x7b: {  	_ =	shalt  }
0x7c: {  	_ =	shalt  }
0x7d: {  	_ =	shalt  }
0x7e: {  	_ =	shalt  }
0x7f: {  	_ =	shalt  }
0x80: {  	_ =	shalt  }
0x81: {  	_ =	shalt  }
0x82: {  	_ =	shalt  }
0x83: {  	_ =	shalt  }
0x84: {  	_ =	shalt  }
0x85: {  	_ =	shalt  }
0x86: {  	_ =	shalt  }
0x87: {  	_ =	shalt  }
.Lfunc_end0:
.L_simem_size_0:
called_computation_lowered:
.L_overlay_start_0:
0x88: {  	s2 =	sld [smem:$0x3FD9]  }
0x89: {  	s3 =	sld [smem:$0x3FFE];
	_ =	sdelay $0x1  }
0x8a: {  	s1 =	srdreg.scid  }
0x8b: {  	s0 =	sand.u32 $0x1, s1  }
0x8c: {  	s17 =	sshll.u32 s0, $0xA;
	s2 =	sadd.s32 s3, s2  }
0x8d: {  	s2 =	sadd.s32 s2, s17  }
0x8e: {  	[smem:$0x3FC5] =	sst s2  }
0x8f: {  	_ = 	snop  }
0x90: {  	s2 =	sld [smem:$0x3FD0];
	(tm) =	ssettm $0x1  }
0x91: {  	s18 =	sld [smem:$0x3FFB];
	_ =	sdelay $0x3  }
0x92: {  	_ =	strace s18  }
0x93: {  	s3 =	sld [smem:$0x3FFC];
	_ =	sdelay $0x3  }
0x94: {  	_ =	strace s3  }
0x95: {  	s3 =	sld [smem:$0x3FFD];
	_ =	sdelay $0x3  }
0x96: {  	_ =	strace s3  }
0x97: {  	_ =	strace $0x8FFFFFFF  }
0x98: {  	s19 =	sld [smem:$0x3FDB];
	_ =	sdelay $0x1  }
0x99: {  	s4 =	simm.s32 $_scs_section_size  }
0x9a: {  	s5 =	simm.s32 $_size__tile_overlayer_lowered;
	s6 =	simm.s32 $_tile_overlayer_lowered  }
0x9b: {  	s22 =	simm.s32 $0x1BFF;
	s21 =	sshll.u32 s6, $0x1;
	s3 =	sadd.s32 s4, s19  }
0x9c: {  	s7 =	simm.s32 $0x0;
	s20 =	sshll.u32 s5, $0x1;
	s5 =	sadd.s32 s21, s3  }
0x9d: {  	[timem:s7], [sflag:s22] =	dma.local [hbm:s5], s20  }
0x9e: {  	_ =	swait.ge [sflag:s22], s20  }
0x9f: {  	s4 =	ssub.s32 $0x0, s20;
	[sflag:s22] =	ssyncset.done $0x0  }
0xa0: {  	[sflag:s22] =	ssyncadd.s32 s4;
	_ =	sdelay $0x1  }
0xa1: {  	s23 =	simm.s32 $0x1B8B  }
0xa2: {  	_ =	swait.ge [sflag:s23], $0x1  }
0xa3: {  	[sflag:s23] =	ssyncset.done $0x0  }
0xa4: {  	s25 =	simm.s32 $0x1B8E;
	s24 =	sld [smem:$0x3FFE];
	[sflag:s23] =	ssyncadd.s32 $0xFFFFFFFF  }
0xa5: {  	s26 =	simm.s32 $execute0_lowered;
	[smem:$0x3FD2] =	sst s25  }
0xa6: {  	s5 =	sshll.u32 s26, $0x1;
	_ =	strace $0x80000046;
	[dreg:$0x1] =	wrdreg $0xFFFFFFFF  }
0xa7: {  	s28 =	simm.s32 $_size_execute0_lowered;
	s3 =	sadd.s32 s3, s5;
	[dreg:$0x0] =	wrdreg $0x0  }
0xa8: {  	s5 =	sshll.u32 s28, $0x1;
	[dreg:$0x2] =	wrdreg s3  }
0xa9: {  	[dreg:$0x3] =	wrdreg s5  }
0xaa: {  	[dreg:$0x4] =	wrdreg $0xC0  }
0xab: {  	_ =	task [dreg:s7], $0x5FFFF  }
0xac: {  	[dreg:$0x1] =	wrdreg $0xFFFFFFFF  }
0xad: {  	[dreg:$0x0] =	wrdreg $0x60  }
0xae: {  	[dreg:$0x2] =	wrdreg s24  }
0xaf: {  	[dreg:$0x3] =	wrdreg s2  }
0xb0: {  	[dreg:$0x4] =	wrdreg $0x9  }
0xb1: {  	_ =	task.clear_ibuf [dreg:s7], $0x5FFFF;
	_ =	strace $0x90000046  }
0xb2: {  	s29 =	simm.s32 $0x9;
	_ =	strace $0x80000048  }
0xb3: {  	_ =	swait.ge [sflag:s29], $0x1  }
0xb4: {  	[sflag:s29] =	ssyncadd.s32 $0xFFFFFFFF  }
0xb5: {  	_ =	strace $0x90000048  }
0xb6: {  	_ =	sfence  }
0xb7: {  	s30 =	sld [smem:$0x0];
	_ =	sdelay $0x2  }
0xb8: {  	s31 =	sshll.u32 s1, $0xD;
	s1 =	sshrl.u32 s1, $0x2  }
0xb9: {  	s3 =	sand.u32 $0x4000, s31;
	s1 =	sadd.s32 s1, s30  }
0xba: {  	s0 =	sor.u32 s3, s0;
	s1 =	sshll.u32 s1, $0x11  }
0xbb: {  	s0 =	sor.u32 s1, s0  }
0xbc: {  	s0 =	sadd.s32 $0x8F2B, s0  }
0xbd: {  	[sflag:s0] =	ssyncadd.remote.s32 $0x1  }
0xbe: {  	_ =	sfence.sel $0xFFFF  }
0xbf: {  	[dreg:$0x0] =	wrdreg $0xFFFFFFFF;
	(pc) =	sbr.abs _section_cstart, $3  }
0xc0: {  	[dreg:$0x1] =	wrdreg $0xFFFFFFFF  }
0xc1: {  	_ =	task.clear_ibuf [dreg:s7], $0x2FFFF;
	_ =	strace $0x9FFFFFFF  }
0xc2: {  	(tm) =	ssettm $0x7FFFFFFF  }
0xc3: {  	_ =	shalt  }
tec
execute0_lowered:
.L_overlay_start_1:
0x0: {  	(tag) =	ssettag $0x1  }
0x1: {  	s0 =	rddreg [dreg:$0x0]  }
0x2: {  	s1 =	rddreg [dreg:$0x1];
	s2 =	srdreg.scid  }
0x3: {  	s3 =	stileid.u32;
	s5 =	sand.u32 $0x1, s2;
	s2 =	simm.s32 $0x0  }
0x4: {  	s3 =	sshll.u32 s3, $0xA;
	s4 =	sshll.u32 s5, $0x9;
	[smem:$0x7FF] =	sst s2  }
0x5: {  	s7 =	ssub.s32 $0x2, s5;
	s5 =	sadd.s32 $0xF43C00, s0;
	s3 =	sor.u32 s4, s3  }
0x6: {  	_ =	strace $0x80000047;
	s4 =	sadd.s32 $0x1600, s0;
	s9 =	sshrl.u32 s3, $0x3  }
0x7: {  	[dreg:$0x3] =	wrdreg s3;
	s8 =	sadd.s32 s9, s0;
	s0 =	sadd.s32 $0x1E86200, s0  }
0x8: {  	s1 =	sadd.s32 s1, s9;
	[dreg:$0x4] =	wrdreg s0  }
0x9: {  	s29 =	sshrl.u32 s7, $0x1;
	s30 =	sadd.s32 $0xE00, s8;
	[dreg:$0x7] =	wrdreg s1  }
0xa: {  	s0 =	ssub.s32 s7, s29;
	s31 =	sadd.s32 $0x600, s8;
	[dreg:$0x5] =	wrdreg s30  }
0xb: {  	[dreg:$0x6] =	wrdreg s31;
	s0 =	smax.u32 s0, $0x1  }
0xc: {  	s12 =	simm.s32 $0x1;
	s1 =	simm.s32 $0x0;
	[dreg:$0x8] =	wrdreg s0  }
.LBB2_1:
0xd: {  	[dreg:$0x9] =	wrdreg s1  }
0xe: {  	s0 =	rddreg [dreg:$0x5];
	s29 =	simm.s32 $0x2  }
0xf: {  	[tilespmem:s2], [sflag:$0x2] =	stream.linear.gather [hbm4b:s0+s2], $0x200, $0x38;
	[tilespmem:$0xC600] =	vst v63  }
0x10: {  	_ =	swait.ge [sflag:s29], $0x200  }
0x11: {  	[sflag:s29] =	ssyncset.done $0x0  }
0x12: {  	s15 =	simm.s32 $0x200;
	s30 =	rddreg [dreg:$0x6];
	[sflag:s29] =	ssyncadd.s32 $0xFFFFFE00  }
0x13: {  	[tilespmem:s15], [sflag:$0x2] =	stream.linear.gather [hbm4b:s30+s2], $0x200, $0x38;
	[tilespmem:$0xC600] =	vst v63  }
0x14: {  	_ =	swait.ge [sflag:s29], $0x200  }
0x15: {  	[sflag:s29] =	ssyncset.done $0x0  }
0x16: {  	s16 =	simm.s32 $0x400;
	s31 =	rddreg [dreg:$0x7];
	[sflag:s29] =	ssyncadd.s32 $0xFFFFFE00  }
0x17: {  	[tilespmem:s16], [sflag:$0x2] =	stream.linear.gather [hbm4b:s31+s2], $0x200, $0x38;
	[tilespmem:$0xC600] =	vst v63  }
0x18: {  	_ =	swait.ge [sflag:s29], $0x200  }
0x19: {  	[sflag:s29] =	ssyncset.done $0x0  }
0x1a: {  	s17 =	simm.s32 $0x0;
	s18 =	simm.s32 $0x0;
	[sflag:s29] =	ssyncadd.s32 $0xFFFFFE00  }
.LBB2_2:
0x1b: {  	v0 =	vld [tilespmem:s17+$0x0];
	_ =	sdelay $0x4  }
0x1c: {  	v0 =	vshll.u32 v0, $0x4  }
0x1d: {  	(v2sf) =	vpush v0, $0x1  }
0x1e: {  	(v2sf) =	vpush v0, $0x0;
	_ =	sdelay $0x1  }
0x1f: {  	(v2sf) =	vpush v0, $0x2;
	_ =	sdelay $0x1  }
0x20: {  	(v2sf) =	vpush v0, $0x3;
	_ =	sdelay $0x1  }
0x21: {  	(v2sf) =	vpush v0, $0x4;
	_ =	sdelay $0x1  }
0x22: {  	(v2sf) =	vpush v0, $0x5;
	_ =	sdelay $0x3  }
0x23: {  	s20 =	simm.s32 $0xC00;
	s19 =	simm.s32 $0xC80;
	(v2sf) =	vpush v0, $0x6  }
0x24: {  	s1 =	simm.s32 $0x600;
	s21 =	simm.s32 $0x680;
	s0 =	simm.s32 $0xB80  }
0x25: {  	s23 =	simm.s32 $0xA80;
	s25 =	simm.s32 $0xB00;
	s22 =	spop (v2sf);
	(v2sf) =	vpush v0, $0x7  }
0x26: {  	s26 =	simm.s32 $0x700;
	s10 =	simm.s32 $0x780;
	s24 =	spop (v2sf);
	(v2sf) =	vpush v0, $0x8  }
0x27: {  	s11 =	simm.s32 $0x800;
	s14 =	simm.s32 $0x880;
	s24 =	sand.u32 $0x1FFFFFF0, s24  }
0x28: {  	s22 =	sand.u32 $0x1FFFFFF0, s22;
	s28 =	spop (v2sf);
	(v2sf) =	vpush v0, $0x9;
	s24 =	sadd.s32 s5, s24  }
0x29: {  	[tilespmem:s1], [sflag:$0x1] =	stream.linear.gather [hbm4b:s24+s2], $0x80, $0x38;
	[tilespmem:$0xC600] =	vst v63  }
0x2a: {  	s22 =	sadd.s32 s5, s22;
	s3 =	spop (v2sf);
	(v2sf) =	vpush v0, $0xA;
	s6 =	sand.u32 $0x1FFFFFF0, s28  }
0x2b: {  	[tilespmem:s21], [sflag:$0x1] =	stream.linear.gather [hbm4b:s22+s2], $0x80, $0x38;
	[tilespmem:$0xC600] =	vst v63  }
0x2c: {  	s7 =	sand.u32 $0x1FFFFFF0, s3;
	s8 =	spop (v2sf);
	(v2sf) =	vpush v0, $0xB;
	s21 =	sadd.s32 s5, s6  }
0x2d: {  	[tilespmem:s26], [sflag:$0x1] =	stream.linear.gather [hbm4b:s21+s2], $0x80, $0x38;
	[tilespmem:$0xC600] =	vst v63  }
0x2e: {  	s24 =	sand.u32 $0x1FFFFFF0, s8;
	s9 =	spop (v2sf);
	(v2sf) =	vpush v0, $0xC;
	s22 =	sadd.s32 s5, s7  }
0x2f: {  	[tilespmem:s10], [sflag:$0x1] =	stream.linear.gather [hbm4b:s22+s2], $0x80, $0x38;
	[tilespmem:$0xC600] =	vst v63  }
0x30: {  	s29 =	simm.s32 $0x900;
	(v2sf) =	vpush v0, $0xD;
	s24 =	sadd.s32 s5, s24;
	s21 =	sand.u32 $0x1FFFFFF0, s9  }
0x31: {  	[tilespmem:s11], [sflag:$0x1] =	stream.linear.gather [hbm4b:s24+s2], $0x80, $0x38;
	[tilespmem:$0xC600] =	vst v63  }
0x32: {  	s28 =	simm.s32 $0x980;
	s13 =	spop (v2sf);
	(v2sf) =	vpush v0, $0xE;
	s21 =	sadd.s32 s5, s21  }
0x33: {  	[tilespmem:s14], [sflag:$0x1] =	stream.linear.gather [hbm4b:s21+s2], $0x80, $0x38;
	[tilespmem:$0xC600] =	vst v63  }
0x34: {  	s1 =	simm.s32 $0xA00;
	s26 =	sand.u32 $0x1FFFFFF0, s13;
	s30 =	spop (v2sf);
	(v2sf) =	vpush v0, $0xF  }
0x35: {  	s21 =	sadd.s32 s5, s26;
	s24 =	sand.u32 $0x1FFFFFF0, s30;
	s31 =	spop (v2sf)  }
0x36: {  	[tilespmem:s29], [sflag:$0x1] =	stream.linear.gather [hbm4b:s21+s2], $0x80, $0x38;
	[tilespmem:$0xC600] =	vst v63  }
0x37: {  	s3 =	sadd.s32 s5, s24;
	s6 =	sand.u32 $0x1FFFFFF0, s31;
	s7 =	spop (v2sf)  }
0x38: {  	[tilespmem:s28], [sflag:$0x1] =	stream.linear.gather [hbm4b:s3+s2], $0x80, $0x38;
	[tilespmem:$0xC600] =	vst v63  }
0x39: {  	s8 =	sadd.s32 s5, s6;
	s9 =	sand.u32 $0x1FFFFFF0, s7;
	s10 =	spop (v2sf)  }
0x3a: {  	[tilespmem:s1], [sflag:$0x1] =	stream.linear.gather [hbm4b:s8+s2], $0x80, $0x38;
	[tilespmem:$0xC600] =	vst v63  }
0x3b: {  	s11 =	sadd.s32 s5, s9;
	s13 =	sand.u32 $0x1FFFFFF0, s10;
	s14 =	spop (v2sf)  }
0x3c: {  	[tilespmem:s23], [sflag:$0x1] =	stream.linear.gather [hbm4b:s11+s2], $0x80, $0x38;
	[tilespmem:$0xC600] =	vst v63  }
0x3d: {  	s21 =	sadd.s32 s5, s13;
	s22 =	sand.u32 $0x1FFFFFF0, s14;
	s23 =	spop (v2sf)  }
0x3e: {  	[tilespmem:s25], [sflag:$0x1] =	stream.linear.gather [hbm4b:s21+s2], $0x80, $0x38;
	[tilespmem:$0xC600] =	vst v63  }
0x3f: {  	s24 =	sadd.s32 s5, s22;
	s26 =	spop (v2sf);
	s25 =	sand.u32 $0x1FFFFFF0, s23  }
0x40: {  	[tilespmem:s0], [sflag:$0x1] =	stream.linear.gather [hbm4b:s24+s2], $0x80, $0x38;
	[tilespmem:$0xC600] =	vst v63  }
0x41: {  	s30 =	sand.u32 $0x1FFFFFF0, s26;
	s31 =	spop (v2sf);
	s29 =	sadd.s32 s5, s25  }
0x42: {  	[tilespmem:s20], [sflag:$0x1] =	stream.linear.gather [hbm4b:s29+s2], $0x80, $0x38;
	[tilespmem:$0xC600] =	vst v63  }
0x43: {  	s1 =	sadd.s32 s5, s30;
	s3 =	sand.u32 $0x1FFFFFF0, s31;
	s6 =	spop (v2sf)  }
0x44: {  	[tilespmem:s19], [sflag:$0x1] =	stream.linear.gather [hbm4b:s1+s2], $0x80, $0x38;
	[tilespmem:$0xC600] =	vst v63  }
0x45: {  	s7 =	simm.s32 $0xD00;
	s1 =	sadd.s32 s5, s3;
	s8 =	sand.u32 $0x1FFFFFF0, s6  }
0x46: {  	[tilespmem:s7], [sflag:$0x1] =	stream.linear.gather [hbm4b:s1+s2], $0x80, $0x38;
	[tilespmem:$0xC600] =	vst v63  }
0x47: {  	s9 =	simm.s32 $0xD80;
	s10 =	sadd.s32 s5, s8  }
0x48: {  	[tilespmem:s9], [sflag:$0x1] =	stream.linear.gather [hbm4b:s10+s2], $0x80, $0x38;
	[tilespmem:$0xC600] =	vst v63  }
0x49: {  	v62 =	vld [tilespmem:s15+$0x0];
	_ =	sdelay $0x4  }
0x4a: {  	v0 =	vshll.u32 v62, $0x4  }
0x4b: {  	(v2sf) =	vpush v0, $0x0  }
0x4c: {  	(v2sf) =	vpush v0, $0x1;
	_ =	sdelay $0x2  }
0x4d: {  	(v2sf) =	vpush v0, $0x2  }
0x4e: {  	(v2sf) =	vpush v0, $0x3;
	_ =	sdelay $0x1  }
0x4f: {  	(v2sf) =	vpush v0, $0x4;
	_ =	sdelay $0x1  }
0x50: {  	(v2sf) =	vpush v0, $0x5;
	_ =	sdelay $0x1  }
0x51: {  	(v2sf) =	vpush v0, $0x6  }
0x52: {  	s13 =	simm.s32 $0x4600;
	s22 =	simm.s32 $0x4900  }
0x53: {  	s21 =	simm.s32 $0x4B00;
	s23 =	simm.s32 $0x4980;
	s25 =	simm.s32 $0x4680;
	(v2sf) =	vpush v0, $0x7  }
0x54: {  	s30 =	simm.s32 $0x4700;
	s0 =	simm.s32 $0x4B80;
	s20 =	simm.s32 $0x4C00  }
0x55: {  	s19 =	simm.s32 $0x4C80;
	s3 =	simm.s32 $0x4780;
	s11 =	spop (v2sf);
	(v2sf) =	vpush v0, $0x8  }
0x56: {  	s1 =	simm.s32 $0x4A80;
	s24 =	sand.u32 $0x1FFFFFF0, s11;
	s14 =	spop (v2sf)  }
0x57: {  	s7 =	simm.s32 $0x4800;
	(v2sf) =	vpush v0, $0x9;
	s24 =	sadd.s32 s4, s24;
	s26 =	sand.u32 $0x1FFFFFF0, s14  }
0x58: {  	[tilespmem:s13], [sflag:$0x1] =	stream.linear.gather [hbm4b:s24+s2], $0x80, $0x38;
	[tilespmem:$0xC600] =	vst v63  }
0x59: {  	s10 =	simm.s32 $0x4880;
	s28 =	spop (v2sf);
	(v2sf) =	vpush v0, $0xA;
	s26 =	sadd.s32 s4, s26  }
0x5a: {  	s29 =	sand.u32 $0x1FFFFFF0, s28;
	s31 =	spop (v2sf);
	s13 =	simm.s32 $0x4A00  }
0x5b: {  	(v2sf) =	vpush v0, $0xB;
	[tilespmem:s25], [sflag:$0x1] =	stream.linear.gather [hbm4b:s26+s2], $0x80, $0x38;
	[tilespmem:$0xC600] =	vst v63  }
0x5c: {  	s6 =	spop (v2sf);
	s26 =	sadd.s32 s4, s29;
	s25 =	sand.u32 $0x1FFFFFF0, s31  }
0x5d: {  	(v2sf) =	vpush v0, $0xC;
	[tilespmem:s30], [sflag:$0x1] =	stream.linear.gather [hbm4b:s26+s2], $0x80, $0x38;
	[tilespmem:$0xC600] =	vst v63  }
0x5e: {  	s28 =	spop (v2sf);
	s25 =	sadd.s32 s4, s25;
	s26 =	sand.u32 $0x1FFFFFF0, s6  }
0x5f: {  	(v2sf) =	vpush v0, $0xD;
	[tilespmem:s3], [sflag:$0x1] =	stream.linear.gather [hbm4b:s25+s2], $0x80, $0x38;
	[tilespmem:$0xC600] =	vst v63  }
0x60: {  	s9 =	sand.u32 $0x1FFFFFF0, s28;
	s11 =	spop (v2sf);
	s8 =	sadd.s32 s4, s26  }
0x61: {  	(v2sf) =	vpush v0, $0xE;
	[tilespmem:s7], [sflag:$0x1] =	stream.linear.gather [hbm4b:s8+s2], $0x80, $0x38;
	[tilespmem:$0xC600] =	vst v63  }
0x62: {  	s14 =	spop (v2sf);
	s26 =	sadd.s32 s4, s9;
	s25 =	sand.u32 $0x1FFFFFF0, s11  }
0x63: {  	(v2sf) =	vpush v0, $0xF;
	[tilespmem:s10], [sflag:$0x1] =	stream.linear.gather [hbm4b:s26+s2], $0x80, $0x38;
	[tilespmem:$0xC600] =	vst v63  }
0x64: {  	s25 =	sadd.s32 s4, s25;
	s26 =	sand.u32 $0x1FFFFFF0, s14;
	s28 =	spop (v2sf)  }
0x65: {  	[tilespmem:s22], [sflag:$0x1] =	stream.linear.gather [hbm4b:s25+s2], $0x80, $0x38;
	[tilespmem:$0xC600] =	vst v63  }
0x66: {  	s29 =	sadd.s32 s4, s26;
	s30 =	sand.u32 $0x1FFFFFF0, s28;
	s31 =	spop (v2sf)  }
0x67: {  	[tilespmem:s23], [sflag:$0x1] =	stream.linear.gather [hbm4b:s29+s2], $0x80, $0x38;
	[tilespmem:$0xC600] =	vst v63  }
0x68: {  	s3 =	sadd.s32 s4, s30;
	s6 =	sand.u32 $0x1FFFFFF0, s31;
	s7 =	spop (v2sf)  }
0x69: {  	[tilespmem:s13], [sflag:$0x1] =	stream.linear.gather [hbm4b:s3+s2], $0x80, $0x38;
	[tilespmem:$0xC600] =	vst v63  }
0x6a: {  	s8 =	sadd.s32 s4, s6;
	s9 =	sand.u32 $0x1FFFFFF0, s7;
	s10 =	spop (v2sf)  }
0x6b: {  	[tilespmem:s1], [sflag:$0x1] =	stream.linear.gather [hbm4b:s8+s2], $0x80, $0x38;
	[tilespmem:$0xC600] =	vst v63  }
0x6c: {  	s11 =	sadd.s32 s4, s9;
	s13 =	sand.u32 $0x1FFFFFF0, s10;
	s14 =	spop (v2sf)  }
0x6d: {  	[tilespmem:s21], [sflag:$0x1] =	stream.linear.gather [hbm4b:s11+s2], $0x80, $0x38;
	[tilespmem:$0xC600] =	vst v63  }
0x6e: {  	s24 =	sadd.s32 s4, s13;
	s25 =	sand.u32 $0x1FFFFFF0, s14;
	s26 =	spop (v2sf)  }
0x6f: {  	[tilespmem:s0], [sflag:$0x1] =	stream.linear.gather [hbm4b:s24+s2], $0x80, $0x38;
	[tilespmem:$0xC600] =	vst v63  }
0x70: {  	s29 =	sadd.s32 s4, s25;
	s30 =	sand.u32 $0x1FFFFFF0, s26;
	s31 =	spop (v2sf)  }
0x71: {  	[tilespmem:s20], [sflag:$0x1] =	stream.linear.gather [hbm4b:s29+s2], $0x80, $0x38;
	[tilespmem:$0xC600] =	vst v63  }
0x72: {  	s1 =	sadd.s32 s4, s30;
	s3 =	sand.u32 $0x1FFFFFF0, s31;
	s6 =	spop (v2sf)  }
0x73: {  	[tilespmem:s19], [sflag:$0x1] =	stream.linear.gather [hbm4b:s1+s2], $0x80, $0x38;
	[tilespmem:$0xC600] =	vst v63  }
0x74: {  	s7 =	simm.s32 $0x4D00;
	s8 =	sand.u32 $0x1FFFFFF0, s6;
	s1 =	sadd.s32 s4, s3  }
0x75: {  	[tilespmem:s7], [sflag:$0x1] =	stream.linear.gather [hbm4b:s1+s2], $0x80, $0x38;
	[tilespmem:$0xC600] =	vst v63  }
0x76: {  	s9 =	simm.s32 $0x4D80;
	s10 =	sadd.s32 s4, s8  }
0x77: {  	[tilespmem:s9], [sflag:$0x1] =	stream.linear.gather [hbm4b:s10+s2], $0x80, $0x38;
	[tilespmem:$0xC600] =	vst v63  }
0x78: {  	v63 =	vld [tilespmem:s16+$0x0];
	_ =	sdelay $0x4  }
0x79: {  	v0 =	vshll.u32 v63, $0x4  }
0x7a: {  	(v2sf) =	vpush v0, $0x0  }
0x7b: {  	(v2sf) =	vpush v0, $0x1  }
0x7c: {  	(v2sf) =	vpush v0, $0x2;
	_ =	sdelay $0x1  }
0x7d: {  	(v2sf) =	vpush v0, $0x3  }
0x7e: {  	(v2sf) =	vpush v0, $0x4;
	_ =	sdelay $0x1  }
0x7f: {  	(v2sf) =	vpush v0, $0x5;
	_ =	sdelay $0x2  }
0x80: {  	(v2sf) =	vpush v0, $0x6;
	_ =	sdelay $0x1  }
0x81: {  	s22 =	sadd.s32 $0x10, s17;
	s23 =	simm.s32 $0x0;
	(v2sf) =	vpush v0, $0x7  }
0x82: {  	s13 =	simm.s32 $0x8600;
	s26 =	simm.s32 $0x8C00;
	s25 =	simm.s32 $0x8C80  }
0x83: {  	s21 =	sadd.s32 $0x10, s15;
	s6 =	simm.s32 $0x8780;
	s8 =	simm.s32 $0x8800  }
0x84: {  	s20 =	simm.s32 $0x2000;
	s29 =	simm.s32 $0x8680;
	s11 =	spop (v2sf)  }
0x85: {  	s19 =	sshll.u32 s18, $0x7;
	(v2sf) =	vpush v0, $0x8;
	s0 =	sand.u32 $0x1FFFFFF0, s11;
	s14 =	spop (v2sf)  }
0x86: {  	s1 =	simm.s32 $0x8700;
	s0 =	sadd.s32 s4, s0;
	s28 =	spop (v2sf)  }
0x87: {  	(v2sf) =	vpush v0, $0x9;
	[tilespmem:s13], [sflag:$0x1] =	stream.linear.gather [hbm4b:s0+s2], $0x80, $0x38;
	[tilespmem:$0xC600] =	vst v63  }
0x88: {  	s11 =	simm.s32 $0x8880;
	s24 =	sand.u32 $0x1FFFFFF0, s14;
	s3 =	spop (v2sf)  }
0x89: {  	(v2sf) =	vpush v0, $0xA;
	s30 =	sadd.s32 s4, s24;
	s31 =	sand.u32 $0x1FFFFFF0, s28;
	s7 =	spop (v2sf)  }
0x8a: {  	(v2sf) =	vpush v0, $0xB;
	[tilespmem:s29], [sflag:$0x1] =	stream.linear.gather [hbm4b:s30+s2], $0x80, $0x38;
	[tilespmem:$0xC600] =	vst v63  }
0x8b: {  	s14 =	simm.s32 $0x8900;
	s24 =	sadd.s32 s4, s31;
	s28 =	spop (v2sf)  }
0x8c: {  	(v2sf) =	vpush v0, $0xC;
	[tilespmem:s1], [sflag:$0x1] =	stream.linear.gather [hbm4b:s24+s2], $0x80, $0x38;
	[tilespmem:$0xC600] =	vst v63  }
0x8d: {  	s30 =	simm.s32 $0x8980;
	s10 =	sand.u32 $0x1FFFFFF0, s28;
	s1 =	sand.u32 $0x1FFFFFF0, s3  }
0x8e: {  	s13 =	spop (v2sf);
	s24 =	sand.u32 $0x1FFFFFF0, s7;
	s1 =	sadd.s32 s4, s1  }
0x8f: {  	[tilespmem:s6], [sflag:$0x1] =	stream.linear.gather [hbm4b:s1+s2], $0x80, $0x38;
	[tilespmem:$0xC600] =	vst v63  }
0x90: {  	(v2sf) =	vpush v0, $0xD;
	s29 =	spop (v2sf);
	s9 =	sadd.s32 s4, s24;
	s24 =	sadd.s32 s4, s10  }
0x91: {  	[tilespmem:s8], [sflag:$0x1] =	stream.linear.gather [hbm4b:s9+s2], $0x80, $0x38;
	[tilespmem:$0xC600] =	vst v63  }
0x92: {  	(v2sf) =	vpush v0, $0xE;
	s10 =	simm.s32 $0x8B00;
	s1 =	sand.u32 $0x1FFFFFF0, s13;
	s6 =	simm.s32 $0x8A00  }
0x93: {  	[tilespmem:s11], [sflag:$0x1] =	stream.linear.gather [hbm4b:s24+s2], $0x80, $0x38;
	[tilespmem:$0xC600] =	vst v63  }
0x94: {  	s1 =	sadd.s32 s4, s1;
	s24 =	sand.u32 $0x1FFFFFF0, s29;
	s28 =	spop (v2sf);
	(v2sf) =	vpush v0, $0xF  }
0x95: {  	[tilespmem:s14], [sflag:$0x1] =	stream.linear.gather [hbm4b:s1+s2], $0x80, $0x38;
	[tilespmem:$0xC600] =	vst v63  }
0x96: {  	s8 =	simm.s32 $0x8A80;
	s31 =	sadd.s32 s4, s24;
	s7 =	spop (v2sf)  }
0x97: {  	[tilespmem:s30], [sflag:$0x1] =	stream.linear.gather [hbm4b:s31+s2], $0x80, $0x38;
	[tilespmem:$0xC600] =	vst v63  }
0x98: {  	s14 =	simm.s32 $0x8B80;
	s3 =	sand.u32 $0x1FFFFFF0, s28;
	s9 =	spop (v2sf)  }
0x99: {  	s24 =	sadd.s32 s4, s3;
	s1 =	sand.u32 $0x1FFFFFF0, s7;
	s28 =	spop (v2sf)  }
0x9a: {  	[tilespmem:s6], [sflag:$0x1] =	stream.linear.gather [hbm4b:s24+s2], $0x80, $0x38;
	[tilespmem:$0xC600] =	vst v63  }
0x9b: {  	s1 =	sadd.s32 s4, s1;
	s24 =	sand.u32 $0x1FFFFFF0, s9;
	s29 =	spop (v2sf)  }
0x9c: {  	[tilespmem:s8], [sflag:$0x1] =	stream.linear.gather [hbm4b:s1+s2], $0x80, $0x38;
	[tilespmem:$0xC600] =	vst v63  }
0x9d: {  	s13 =	sand.u32 $0x1FFFFFF0, s28;
	s11 =	sadd.s32 s4, s24;
	s30 =	sand.u32 $0x1FFFFFF0, s29  }
0x9e: {  	[tilespmem:s10], [sflag:$0x1] =	stream.linear.gather [hbm4b:s11+s2], $0x80, $0x38;
	[tilespmem:$0xC600] =	vst v63  }
0x9f: {  	s24 =	sadd.s32 s4, s13;
	s31 =	spop (v2sf);
	s28 =	sadd.s32 s4, s30  }
0xa0: {  	[tilespmem:s14], [sflag:$0x1] =	stream.linear.gather [hbm4b:s24+s2], $0x80, $0x38;
	[tilespmem:$0xC600] =	vst v63  }
0xa1: {  	s0 =	sand.u32 $0x1FFFFFF0, s31;
	s1 =	spop (v2sf);
	s24 =	sadd.s32 $0x10, s16  }
.LBB2_3:
0xa2: {  	[tilespmem:s26], [sflag:$0x1] =	stream.linear.gather [hbm4b:s28+s2], $0x80, $0x38;
	[tilespmem:$0xC600] =	vst v63  }
0xa3: {  	s0 =	sadd.s32 s4, s0;
	s1 =	sand.u32 $0x1FFFFFF0, s1;
	s26 =	spop (v2sf)  }
0xa4: {  	[tilespmem:s25], [sflag:$0x1] =	stream.linear.gather [hbm4b:s0+s2], $0x80, $0x38;
	[tilespmem:$0xC600] =	vst v63  }
0xa5: {  	s1 =	sadd.s32 s4, s1;
	s0 =	sadd.s32 $0x8D00, s23;
	s25 =	sand.u32 $0x1FFFFFF0, s26  }
0xa6: {  	[tilespmem:s0], [sflag:$0x1] =	stream.linear.gather [hbm4b:s1+s2], $0x80, $0x38;
	[tilespmem:$0xC600] =	vst v63  }
0xa7: {  	p0 =	sne.s32 s20, $0xE000;
	s0 =	sadd.s32 $0x8D80, s23;
	s1 =	sadd.s32 s4, s25  }
0xa8: {  	[tilespmem:s0], [sflag:$0x1] =	stream.linear.gather [hbm4b:s1+s2], $0x80, $0x38;
	[tilespmem:$0xC600] =	vst v63  }
0xa9: {  	s0 =	smov.u32 s20;
	s20 =	sadd.s32 $0x2000, s20;
	v0 =	vld [tilespmem:s22+$0x0];
	_ =	sdelay $0x4  }
0xaa: {  	v0 =	vshll.u32 v0, $0x4  }
0xab: {  	(v2sf) =	vpush v0, $0x1  }
0xac: {  	(v2sf) =	vpush v0, $0x0  }
0xad: {  	(v2sf) =	vpush v0, $0x2  }
0xae: {  	(v2sf) =	vpush v0, $0x3  }
0xaf: {  	(v2sf) =	vpush v0, $0x4;
	_ =	sdelay $0x1  }
0xb0: {  	(v2sf) =	vpush v0, $0x5;
	_ =	sdelay $0x3  }
0xb1: {  	(v2sf) =	vpush v0, $0x6;
	_ =	sdelay $0x1  }
0xb2: {  	s23 =	sshra.s32 s0, $0x2  }
0xb3: {  	s26 =	sadd.s32 $0xC00, s23;
	s25 =	sadd.s32 $0xC80, s23  }
0xb4: {  	s1 =	sadd.s32 $0x600, s23;
	s31 =	sadd.s32 $0x680, s23;
	s28 =	sadd.s32 $0xB80, s23;
	(v2sf) =	vpush v0, $0x7  }
0xb5: {  	s30 =	sadd.s32 $0xA80, s23;
	s29 =	sadd.s32 $0xB00, s23;
	s0 =	spop (v2sf)  }
0xb6: {  	s8 =	sadd.s32 $0x700, s23;
	s7 =	sand.u32 $0x1FFFFFF0, s0;
	s0 =	spop (v2sf);
	(v2sf) =	vpush v0, $0x8  }
0xb7: {  	s9 =	sand.u32 $0x1FFFFFF0, s0;
	s0 =	sadd.s32 $0xA00, s23;
	s10 =	spop (v2sf)  }
0xb8: {  	s9 =	sadd.s32 s5, s9;
	s10 =	sand.u32 $0x1FFFFFF0, s10;
	s14 =	spop (v2sf);
	(v2sf) =	vpush v0, $0x9  }
0xb9: {  	s13 =	sadd.s32 $0x980, s23;
	s14 =	sand.u32 $0x1FFFFFF0, s14;
	s3 =	spop (v2sf)  }
0xba: {  	[tilespmem:s1], [sflag:$0x1] =	stream.linear.gather [hbm4b:s9+s2], $0x80, $0x38;
	(v2sf) =	vpush v0, $0xA;
	[tilespmem:$0xC600] =	vst v63  }
0xbb: {  	s1 =	sadd.s32 s5, s7;
	s3 =	sand.u32 $0x1FFFFFF0, s3;
	s7 =	spop (v2sf)  }
0xbc: {  	[tilespmem:s31], [sflag:$0x1] =	stream.linear.gather [hbm4b:s1+s2], $0x80, $0x38;
	(v2sf) =	vpush v0, $0xB;
	[tilespmem:$0xC600] =	vst v63  }
0xbd: {  	s9 =	sadd.s32 $0x780, s23;
	s1 =	sadd.s32 s5, s10;
	s7 =	sand.u32 $0x1FFFFFF0, s7  }
0xbe: {  	[tilespmem:s8], [sflag:$0x1] =	stream.linear.gather [hbm4b:s1+s2], $0x80, $0x38;
	(v2sf) =	vpush v0, $0xC;
	[tilespmem:$0xC600] =	vst v63  }
0xbf: {  	s1 =	sadd.s32 s5, s14;
	s8 =	sadd.s32 $0x800, s23;
	s10 =	spop (v2sf)  }
0xc0: {  	[tilespmem:s9], [sflag:$0x1] =	stream.linear.gather [hbm4b:s1+s2], $0x80, $0x38;
	(v2sf) =	vpush v0, $0xD;
	[tilespmem:$0xC600] =	vst v63  }
0xc1: {  	s1 =	sadd.s32 s5, s3;
	s3 =	sadd.s32 $0x880, s23;
	s9 =	sand.u32 $0x1FFFFFF0, s10  }
0xc2: {  	[tilespmem:s8], [sflag:$0x1] =	stream.linear.gather [hbm4b:s1+s2], $0x80, $0x38;
	(v2sf) =	vpush v0, $0xE;
	[tilespmem:$0xC600] =	vst v63  }
0xc3: {  	s1 =	sadd.s32 s5, s7;
	s7 =	sadd.s32 $0x900, s23;
	s8 =	spop (v2sf)  }
0xc4: {  	[tilespmem:s3], [sflag:$0x1] =	stream.linear.gather [hbm4b:s1+s2], $0x80, $0x38;
	(v2sf) =	vpush v0, $0xF;
	[tilespmem:$0xC600] =	vst v63  }
0xc5: {  	s1 =	sadd.s32 s5, s9;
	s3 =	sand.u32 $0x1FFFFFF0, s8;
	s8 =	spop (v2sf)  }
0xc6: {  	[tilespmem:s7], [sflag:$0x1] =	stream.linear.gather [hbm4b:s1+s2], $0x80, $0x38;
	[tilespmem:$0xC600] =	vst v63  }
0xc7: {  	s1 =	sadd.s32 s5, s3;
	s3 =	sand.u32 $0x1FFFFFF0, s8;
	s7 =	spop (v2sf)  }
0xc8: {  	[tilespmem:s13], [sflag:$0x1] =	stream.linear.gather [hbm4b:s1+s2], $0x80, $0x38;
	[tilespmem:$0xC600] =	vst v63  }
0xc9: {  	s1 =	sadd.s32 s5, s3;
	s3 =	sand.u32 $0x1FFFFFF0, s7;
	s7 =	spop (v2sf)  }
0xca: {  	[tilespmem:s0], [sflag:$0x1] =	stream.linear.gather [hbm4b:s1+s2], $0x80, $0x38;
	[tilespmem:$0xC600] =	vst v63  }
0xcb: {  	s0 =	sadd.s32 s5, s3;
	s1 =	sand.u32 $0x1FFFFFF0, s7;
	s3 =	spop (v2sf)  }
0xcc: {  	[tilespmem:s30], [sflag:$0x1] =	stream.linear.gather [hbm4b:s0+s2], $0x80, $0x38;
	[tilespmem:$0xC600] =	vst v63  }
0xcd: {  	s0 =	sadd.s32 s5, s1;
	s1 =	sand.u32 $0x1FFFFFF0, s3;
	s3 =	spop (v2sf)  }
0xce: {  	[tilespmem:s29], [sflag:$0x1] =	stream.linear.gather [hbm4b:s0+s2], $0x80, $0x38;
	[tilespmem:$0xC600] =	vst v63  }
0xcf: {  	s0 =	sadd.s32 s5, s1;
	s1 =	sand.u32 $0x1FFFFFF0, s3;
	s3 =	spop (v2sf)  }
0xd0: {  	[tilespmem:s28], [sflag:$0x1] =	stream.linear.gather [hbm4b:s0+s2], $0x80, $0x38;
	[tilespmem:$0xC600] =	vst v63  }
0xd1: {  	s0 =	sadd.s32 s5, s1;
	s1 =	sand.u32 $0x1FFFFFF0, s3;
	s3 =	spop (v2sf)  }
0xd2: {  	[tilespmem:s26], [sflag:$0x1] =	stream.linear.gather [hbm4b:s0+s2], $0x80, $0x38;
	[tilespmem:$0xC600] =	vst v63  }
0xd3: {  	s0 =	sadd.s32 s5, s1;
	s1 =	sand.u32 $0x1FFFFFF0, s3;
	s3 =	spop (v2sf)  }
0xd4: {  	[tilespmem:s25], [sflag:$0x1] =	stream.linear.gather [hbm4b:s0+s2], $0x80, $0x38;
	[tilespmem:$0xC600] =	vst v63  }
0xd5: {  	s1 =	sadd.s32 s5, s1;
	s0 =	sadd.s32 $0xD00, s23;
	s3 =	sand.u32 $0x1FFFFFF0, s3  }
0xd6: {  	[tilespmem:s0], [sflag:$0x1] =	stream.linear.gather [hbm4b:s1+s2], $0x80, $0x38;
	[tilespmem:$0xC600] =	vst v63  }
0xd7: {  	s0 =	sadd.s32 $0xD80, s23;
	s1 =	sadd.s32 s5, s3  }
0xd8: {  	[tilespmem:s0], [sflag:$0x1] =	stream.linear.gather [hbm4b:s1+s2], $0x80, $0x38;
	[tilespmem:$0xC600] =	vst v63  }
0xd9: {  	v0 =	vld [tilespmem:s21+$0x0];
	_ =	sdelay $0x4  }
0xda: {  	v0 =	vshll.u32 v0, $0x4  }
0xdb: {  	(v2sf) =	vpush v0, $0x0  }
0xdc: {  	(v2sf) =	vpush v0, $0x1  }
0xdd: {  	(v2sf) =	vpush v0, $0x2;
	_ =	sdelay $0x1  }
0xde: {  	(v2sf) =	vpush v0, $0x3;
	_ =	sdelay $0x1  }
0xdf: {  	(v2sf) =	vpush v0, $0x4;
	_ =	sdelay $0x1  }
0xe0: {  	(v2sf) =	vpush v0, $0x5;
	_ =	sdelay $0x1  }
0xe1: {  	(v2sf) =	vpush v0, $0x6  }
0xe2: {  	s26 =	sadd.s32 $0x4C00, s23;
	s25 =	sadd.s32 $0x4C80, s23  }
0xe3: {  	s30 =	sadd.s32 $0x4A80, s23;
	s29 =	sadd.s32 $0x4B00, s23;
	s28 =	sadd.s32 $0x4B80, s23;
	(v2sf) =	vpush v0, $0x7  }
0xe4: {  	s31 =	sadd.s32 $0x4A00, s23;
	s1 =	sadd.s32 $0x4900, s23;
	s0 =	sadd.s32 $0x4980, s23  }
0xe5: {  	s8 =	sadd.s32 $0x4880, s23;
	s7 =	sadd.s32 $0x4800, s23;
	s3 =	sadd.s32 $0x4780, s23;
	(v2sf) =	vpush v0, $0x8  }
0xe6: {  	s10 =	sadd.s32 $0x4700, s23;
	s9 =	sadd.s32 $0x4680, s23;
	s13 =	spop (v2sf)  }
0xe7: {  	s14 =	sadd.s32 $0x4600, s23;
	s13 =	sand.u32 $0x1FFFFFF0, s13;
	s6 =	spop (v2sf);
	(v2sf) =	vpush v0, $0x9  }
0xe8: {  	s13 =	sadd.s32 s4, s13;
	s6 =	sand.u32 $0x1FFFFFF0, s6;
	s11 =	spop (v2sf)  }
0xe9: {  	[tilespmem:s14], [sflag:$0x1] =	stream.linear.gather [hbm4b:s13+s2], $0x80, $0x38;
	(v2sf) =	vpush v0, $0xA;
	[tilespmem:$0xC600] =	vst v63  }
0xea: {  	s6 =	sadd.s32 s4, s6;
	s11 =	sand.u32 $0x1FFFFFF0, s11;
	s13 =	spop (v2sf)  }
0xeb: {  	[tilespmem:s9], [sflag:$0x1] =	stream.linear.gather [hbm4b:s6+s2], $0x80, $0x38;
	(v2sf) =	vpush v0, $0xB;
	[tilespmem:$0xC600] =	vst v63  }
0xec: {  	s6 =	sadd.s32 s4, s11;
	s9 =	sand.u32 $0x1FFFFFF0, s13;
	s11 =	spop (v2sf)  }
0xed: {  	[tilespmem:s10], [sflag:$0x1] =	stream.linear.gather [hbm4b:s6+s2], $0x80, $0x38;
	(v2sf) =	vpush v0, $0xC;
	[tilespmem:$0xC600] =	vst v63  }
0xee: {  	s6 =	sadd.s32 s4, s9;
	s9 =	sand.u32 $0x1FFFFFF0, s11;
	s10 =	spop (v2sf)  }
0xef: {  	[tilespmem:s3], [sflag:$0x1] =	stream.linear.gather [hbm4b:s6+s2], $0x80, $0x38;
	(v2sf) =	vpush v0, $0xD;
	[tilespmem:$0xC600] =	vst v63  }
0xf0: {  	s3 =	sadd.s32 s4, s9;
	s6 =	sand.u32 $0x1FFFFFF0, s10;
	s9 =	spop (v2sf)  }
0xf1: {  	[tilespmem:s7], [sflag:$0x1] =	stream.linear.gather [hbm4b:s3+s2], $0x80, $0x38;
	(v2sf) =	vpush v0, $0xE;
	[tilespmem:$0xC600] =	vst v63  }
0xf2: {  	s3 =	sadd.s32 s4, s6;
	s6 =	sand.u32 $0x1FFFFFF0, s9;
	s7 =	spop (v2sf)  }
0xf3: {  	[tilespmem:s8], [sflag:$0x1] =	stream.linear.gather [hbm4b:s3+s2], $0x80, $0x38;
	(v2sf) =	vpush v0, $0xF;
	[tilespmem:$0xC600] =	vst v63  }
0xf4: {  	s3 =	sadd.s32 s4, s6;
	s6 =	sand.u32 $0x1FFFFFF0, s7;
	s7 =	spop (v2sf)  }
0xf5: {  	[tilespmem:s1], [sflag:$0x1] =	stream.linear.gather [hbm4b:s3+s2], $0x80, $0x38;
	[tilespmem:$0xC600] =	vst v63  }
0xf6: {  	s1 =	sadd.s32 s4, s6;
	s3 =	sand.u32 $0x1FFFFFF0, s7;
	s6 =	spop (v2sf)  }
0xf7: {  	[tilespmem:s0], [sflag:$0x1] =	stream.linear.gather [hbm4b:s1+s2], $0x80, $0x38;
	[tilespmem:$0xC600] =	vst v63  }
0xf8: {  	s0 =	sadd.s32 s4, s3;
	s1 =	sand.u32 $0x1FFFFFF0, s6;
	s3 =	spop (v2sf)  }
0xf9: {  	[tilespmem:s31], [sflag:$0x1] =	stream.linear.gather [hbm4b:s0+s2], $0x80, $0x38;
	[tilespmem:$0xC600] =	vst v63  }
0xfa: {  	s0 =	sadd.s32 s4, s1;
	s1 =	sand.u32 $0x1FFFFFF0, s3;
	s3 =	spop (v2sf)  }
0xfb: {  	[tilespmem:s30], [sflag:$0x1] =	stream.linear.gather [hbm4b:s0+s2], $0x80, $0x38;
	[tilespmem:$0xC600] =	vst v63  }
0xfc: {  	s0 =	sadd.s32 s4, s1;
	s1 =	sand.u32 $0x1FFFFFF0, s3;
	s3 =	spop (v2sf)  }
0xfd: {  	[tilespmem:s29], [sflag:$0x1] =	stream.linear.gather [hbm4b:s0+s2], $0x80, $0x38;
	[tilespmem:$0xC600] =	vst v63  }
0xfe: {  	s0 =	sadd.s32 s4, s1;
	s1 =	sand.u32 $0x1FFFFFF0, s3;
	s3 =	spop (v2sf)  }
0xff: {  	[tilespmem:s28], [sflag:$0x1] =	stream.linear.gather [hbm4b:s0+s2], $0x80, $0x38;
	[tilespmem:$0xC600] =	vst v63  }
0x100: {  	s0 =	sadd.s32 s4, s1;
	s1 =	sand.u32 $0x1FFFFFF0, s3;
	s3 =	spop (v2sf)  }
0x101: {  	[tilespmem:s26], [sflag:$0x1] =	stream.linear.gather [hbm4b:s0+s2], $0x80, $0x38;
	[tilespmem:$0xC600] =	vst v63  }
0x102: {  	s0 =	sadd.s32 s4, s1;
	s1 =	sand.u32 $0x1FFFFFF0, s3;
	s3 =	spop (v2sf)  }
0x103: {  	[tilespmem:s25], [sflag:$0x1] =	stream.linear.gather [hbm4b:s0+s2], $0x80, $0x38;
	[tilespmem:$0xC600] =	vst v63  }
0x104: {  	s1 =	sadd.s32 s4, s1;
	s0 =	sadd.s32 $0x4D00, s23;
	s3 =	sand.u32 $0x1FFFFFF0, s3  }
0x105: {  	[tilespmem:s0], [sflag:$0x1] =	stream.linear.gather [hbm4b:s1+s2], $0x80, $0x38;
	[tilespmem:$0xC600] =	vst v63  }
0x106: {  	s0 =	sadd.s32 $0x4D80, s23;
	s1 =	sadd.s32 s4, s3  }
0x107: {  	[tilespmem:s0], [sflag:$0x1] =	stream.linear.gather [hbm4b:s1+s2], $0x80, $0x38;
	[tilespmem:$0xC600] =	vst v63  }
0x108: {  	v0 =	vld [tilespmem:s24+$0x0];
	_ =	sdelay $0x4  }
0x109: {  	v0 =	vshll.u32 v0, $0x4  }
0x10a: {  	(v2sf) =	vpush v0, $0x0  }
0x10b: {  	(v2sf) =	vpush v0, $0x1  }
0x10c: {  	(v2sf) =	vpush v0, $0x2;
	_ =	sdelay $0x1  }
0x10d: {  	(v2sf) =	vpush v0, $0x3;
	_ =	sdelay $0x1  }
0x10e: {  	(v2sf) =	vpush v0, $0x4;
	_ =	sdelay $0x1  }
0x10f: {  	(v2sf) =	vpush v0, $0x5;
	_ =	sdelay $0x1  }
0x110: {  	s22 =	sadd.s32 $0x10, s22;
	s21 =	sadd.s32 $0x10, s21;
	(v2sf) =	vpush v0, $0x6  }
0x111: {  	s26 =	sadd.s32 $0x8C00, s23;
	s25 =	sadd.s32 $0x8C80, s23;
	s24 =	sadd.s32 $0x10, s24  }
0x112: {  	s30 =	sadd.s32 $0x8A80, s23;
	s29 =	sadd.s32 $0x8B00, s23;
	s28 =	sadd.s32 $0x8B80, s23;
	(v2sf) =	vpush v0, $0x7  }
0x113: {  	s31 =	sadd.s32 $0x8A00, s23;
	s1 =	sadd.s32 $0x8900, s23;
	s0 =	sadd.s32 $0x8980, s23  }
0x114: {  	s7 =	sadd.s32 $0x8880, s23;
	s6 =	sadd.s32 $0x8800, s23;
	s3 =	sadd.s32 $0x8780, s23;
	(v2sf) =	vpush v0, $0x8  }
0x115: {  	s9 =	sadd.s32 $0x8700, s23;
	s8 =	sadd.s32 $0x8680, s23;
	s10 =	spop (v2sf)  }
0x116: {  	s11 =	sadd.s32 $0x8600, s23;
	s10 =	sand.u32 $0x1FFFFFF0, s10;
	s13 =	spop (v2sf);
	(v2sf) =	vpush v0, $0x9  }
0x117: {  	s10 =	sadd.s32 s4, s10;
	s13 =	sand.u32 $0x1FFFFFF0, s13;
	s14 =	spop (v2sf)  }
0x118: {  	[tilespmem:s11], [sflag:$0x1] =	stream.linear.gather [hbm4b:s10+s2], $0x80, $0x38;
	(v2sf) =	vpush v0, $0xA;
	[tilespmem:$0xC600] =	vst v63  }
0x119: {  	s10 =	sadd.s32 s4, s13;
	s11 =	sand.u32 $0x1FFFFFF0, s14;
	s13 =	spop (v2sf)  }
0x11a: {  	[tilespmem:s8], [sflag:$0x1] =	stream.linear.gather [hbm4b:s10+s2], $0x80, $0x38;
	(v2sf) =	vpush v0, $0xB;
	[tilespmem:$0xC600] =	vst v63  }
0x11b: {  	s8 =	sadd.s32 s4, s11;
	s10 =	sand.u32 $0x1FFFFFF0, s13;
	s11 =	spop (v2sf)  }
0x11c: {  	[tilespmem:s9], [sflag:$0x1] =	stream.linear.gather [hbm4b:s8+s2], $0x80, $0x38;
	(v2sf) =	vpush v0, $0xC;
	[tilespmem:$0xC600] =	vst v63  }
0x11d: {  	s8 =	sadd.s32 s4, s10;
	s9 =	sand.u32 $0x1FFFFFF0, s11;
	s10 =	spop (v2sf)  }
0x11e: {  	[tilespmem:s3], [sflag:$0x1] =	stream.linear.gather [hbm4b:s8+s2], $0x80, $0x38;
	(v2sf) =	vpush v0, $0xD;
	[tilespmem:$0xC600] =	vst v63  }
0x11f: {  	s3 =	sadd.s32 s4, s9;
	s8 =	sand.u32 $0x1FFFFFF0, s10;
	s9 =	spop (v2sf)  }
0x120: {  	[tilespmem:s6], [sflag:$0x1] =	stream.linear.gather [hbm4b:s3+s2], $0x80, $0x38;
	(v2sf) =	vpush v0, $0xE;
	[tilespmem:$0xC600] =	vst v63  }
0x121: {  	s3 =	sadd.s32 s4, s8;
	s6 =	sand.u32 $0x1FFFFFF0, s9;
	s8 =	spop (v2sf)  }
0x122: {  	[tilespmem:s7], [sflag:$0x1] =	stream.linear.gather [hbm4b:s3+s2], $0x80, $0x38;
	(v2sf) =	vpush v0, $0xF;
	[tilespmem:$0xC600] =	vst v63  }
0x123: {  	s3 =	sadd.s32 s4, s6;
	s6 =	sand.u32 $0x1FFFFFF0, s8;
	s7 =	spop (v2sf)  }
0x124: {  	[tilespmem:s1], [sflag:$0x1] =	stream.linear.gather [hbm4b:s3+s2], $0x80, $0x38;
	[tilespmem:$0xC600] =	vst v63  }
0x125: {  	s1 =	sadd.s32 s4, s6;
	s3 =	sand.u32 $0x1FFFFFF0, s7;
	s6 =	spop (v2sf)  }
0x126: {  	[tilespmem:s0], [sflag:$0x1] =	stream.linear.gather [hbm4b:s1+s2], $0x80, $0x38;
	[tilespmem:$0xC600] =	vst v63  }
0x127: {  	s0 =	sadd.s32 s4, s3;
	s1 =	sand.u32 $0x1FFFFFF0, s6;
	s3 =	spop (v2sf)  }
0x128: {  	[tilespmem:s31], [sflag:$0x1] =	stream.linear.gather [hbm4b:s0+s2], $0x80, $0x38;
	[tilespmem:$0xC600] =	vst v63  }
0x129: {  	s0 =	sadd.s32 s4, s1;
	s1 =	sand.u32 $0x1FFFFFF0, s3;
	s3 =	spop (v2sf)  }
0x12a: {  	[tilespmem:s30], [sflag:$0x1] =	stream.linear.gather [hbm4b:s0+s2], $0x80, $0x38;
	[tilespmem:$0xC600] =	vst v63  }
0x12b: {  	s0 =	sadd.s32 s4, s1  }
.Ltmp0:
0x12c: {  	s1 =	sand.u32 $0x1FFFFFF0, s3;
	s3 =	spop (v2sf);
	(pc) =	sbr.rel @p0 .LBB2_3-.Ltmp0, $4  }
0x12d: {  	[tilespmem:s29], [sflag:$0x1] =	stream.linear.gather [hbm4b:s0+s2], $0x80, $0x38;
	[tilespmem:$0xC600] =	vst v63  }
0x12e: {  	s0 =	sadd.s32 s4, s1;
	s1 =	sand.u32 $0x1FFFFFF0, s3;
	s3 =	spop (v2sf)  }
0x12f: {  	[tilespmem:s28], [sflag:$0x1] =	stream.linear.gather [hbm4b:s0+s2], $0x80, $0x38;
	[tilespmem:$0xC600] =	vst v63  }
0x130: {  	s28 =	sadd.s32 s4, s1;
	s0 =	sand.u32 $0x1FFFFFF0, s3;
	s1 =	spop (v2sf)  }
0x131: {  	[tilespmem:s26], [sflag:$0x1] =	stream.linear.gather [hbm4b:s28+s2], $0x80, $0x38;
	[tilespmem:$0xC600] =	vst v63  }
0x132: {  	s0 =	sadd.s32 s4, s0;
	s1 =	sand.u32 $0x1FFFFFF0, s1;
	s3 =	spop (v2sf)  }
0x133: {  	[tilespmem:s25], [sflag:$0x1] =	stream.linear.gather [hbm4b:s0+s2], $0x80, $0x38;
	[tilespmem:$0xC600] =	vst v63  }
0x134: {  	s29 =	sadd.s32 $0x8D00, s23;
	s1 =	sadd.s32 s4, s1;
	s3 =	sand.u32 $0x1FFFFFF0, s3  }
0x135: {  	[tilespmem:s29], [sflag:$0x1] =	stream.linear.gather [hbm4b:s1+s2], $0x80, $0x38;
	[tilespmem:$0xC600] =	vst v63  }
0x136: {  	s30 =	sadd.s32 $0x8D80, s23;
	s31 =	sadd.s32 s4, s3;
	s0 =	simm.s32 $0x180  }
0x137: {  	[tilespmem:s30], [sflag:$0x1] =	stream.linear.gather [hbm4b:s31+s2], $0x80, $0x38;
	[tilespmem:$0xC600] =	vst v63  }
.LBB2_5:
0x138: {  	p0 =	sne.s32 s0, $0x1  }
.Ltmp1:
0x139: {  	_ = 	snop;
	(pc) =	sbr.rel @p0 .LBB2_5-.Ltmp1, $4  }
0x13a: {  	_ = 	snop  }
0x13b: {  	_ =	swait.ge [sflag:s12], $0x80  }
0x13c: {  	[sflag:s12] =	ssyncset.done $0x0  }
0x13d: {  	s0 =	sadd.s32 $0xFFFFFFFF, s0;
	[sflag:s12] =	ssyncadd.s32 $0xFFFFFF80  }
0x13e: {  	s20 =	simm.s32 $0x0  }
0x13f: {  	v5 =	vld [tilespmem:s20+$0x8600]  }
0x140: {  	v4 =	vld [tilespmem:s20+$0x8610]  }
0x141: {  	v3 =	vld [tilespmem:s20+$0x4600]  }
0x142: {  	v2 =	vld [tilespmem:s20+$0x4610]  }
0x143: {  	v1 =	vld [tilespmem:s20+$0x4620]  }
0x144: {  	v0 =	vld [tilespmem:s20+$0x4630]  }
0x145: {  	v7 =	vld [tilespmem:s20+$0x600]  }
0x146: {  	v8 =	vld [tilespmem:s20+$0x610]  }
0x147: {  	s0 =	simm.s32 $0x200;
	v6 =	vld [tilespmem:s20+$0x620]  }
.LBB2_7:
0x148: {  	p0 =	sne.s32 s0, $0xFE00;
	v9 =	vld [tilespmem:s20+$0x630]  }
0x149: {  	v10 =	vld [tilespmem:s20+$0x8620]  }
0x14a: {  	s1 =	sshra.s32 s0, $0x2;
	v3 =	vadd.f32 v3, v7;
	v7 =	vld [tilespmem:s20+$0x8630]  }
0x14b: {  	v11 =	vld [tilespmem:s1+$0x8600];
	v2 =	vadd.f32 v2, v8  }
0x14c: {  	v8 =	vld [tilespmem:s1+$0x8610];
	v5 =	vsub.f32 v3, v5;
	v1 =	vadd.f32 v1, v6  }
0x14d: {  	v3 =	vld [tilespmem:s1+$0x4600];
	v4 =	vsub.f32 v2, v4;
	v0 =	vadd.f32 v0, v9  }
0x14e: {  	v2 =	vld [tilespmem:s1+$0x4610];
	[tilespmem:s20+$0x600] =	vst v5;
	v6 =	vsub.f32 v1, v10  }
.Ltmp2:
0x14f: {  	v1 =	vld [tilespmem:s1+$0x4620];
	[tilespmem:s20+$0x610] =	vst v4;
	v9 =	vsub.f32 v0, v7;
	(pc) =	sbr.rel @p0 .LBB2_7-.Ltmp2, $4  }
0x150: {  	v0 =	vld [tilespmem:s1+$0x4630];
	[tilespmem:s20+$0x620] =	vst v6;
	v5 =	vmov v11  }
0x151: {  	v7 =	vld [tilespmem:s1+$0x600];
	[tilespmem:s20+$0x630] =	vst v9;
	v4 =	vmov v8;
	s20 =	smov.u32 s1  }
0x152: {  	v8 =	vld [tilespmem:s20+$0x610]  }
0x153: {  	s0 =	sadd.s32 $0x200, s0;
	v6 =	vld [tilespmem:s20+$0x620]  }
0x154: {  	v9 =	vld [tilespmem:s20+$0x630]  }
0x155: {  	v10 =	vld [tilespmem:s20+$0x8620]  }
0x156: {  	v63 =	vld [tilespmem:s20+$0x8630];
	v3 =	vadd.f32 v3, v7  }
0x157: {  	v2 =	vadd.f32 v2, v8  }
0x158: {  	v3 =	vsub.f32 v3, v5;
	v1 =	vadd.f32 v1, v6  }
0x159: {  	v2 =	vsub.f32 v2, v4;
	v0 =	vadd.f32 v0, v9  }
0x15a: {  	s0 =	rddreg [dreg:$0x3];
	[tilespmem:s20+$0x600] =	vst v3;
	v1 =	vsub.f32 v1, v10  }
0x15b: {  	s1 =	rddreg [dreg:$0x4];
	s18 =	sadd.s32 $0x1, s18;
	s0 =	sadd.s32 s0, s19;
	[tilespmem:s20+$0x610] =	vst v2;
	v0 =	vsub.f32 v0, v63  }
0x15c: {  	s30 =	simm.s32 $0x600;
	p0 =	sne.s32 s18, $0x4;
	s0 =	sshll.u32 s0, $0x4;
	[tilespmem:s20+$0x620] =	vst v1  }
.Ltmp3:
0x15d: {  	s31 =	simm.s32 $0x2;
	s0 =	sadd.s32 s1, s0;
	[tilespmem:s20+$0x630] =	vst v0;
	(pc) =	sbr.rel @p0 .LBB2_2-.Ltmp3, $4  }
0x15e: {  	[hbm4b:s0+s2] =	stream.linear.scatter [tilespmem:s30], [sflag:$0x2], $0x4000, $0x38;
	[tilespmem:$0xC600] =	vst v63  }
0x15f: {  	_ =	swait.ge [sflag:s31], $0x4000  }
0x160: {  	s16 =	sadd.s32 $0x80, s16;
	[sflag:s31] =	ssyncset.done $0x0  }
0x161: {  	s15 =	sadd.s32 $0x80, s15;
	s17 =	sadd.s32 $0x80, s17;
	[sflag:s31] =	ssyncadd.s32 $0xFFFFC000  }
0x162: {  	s1 =	rddreg [dreg:$0x9]  }
0x163: {  	s0 =	rddreg [dreg:$0x8];
	s1 =	sadd.s32 $0x1, s1  }
0x164: {  	p0 =	sne.s32 s1, s0  }
.Ltmp4:
0x165: {  	_ = 	snop;
	(pc) =	sbr.rel @p0 .LBB2_1-.Ltmp4, $1  }
0x166: {  	_ =	sdelay $0x3  }
0x167: {  	_ =	sfence.sel $0x180000  }
0x168: {  	[bflag:$0x0] =	sbarrier.arrive $0xFFFF  }
0x169: {  	_ =	strace $0x90000047  }
0x16a: {  	s0 =	stileid.u32;
	[bflag:$0x2] =	sbarrier.arrive $0xFFFF  }
0x16b: {  	p0 =	sne.s32 s0, $0x0;
	s0 =	rddreg [dreg:$0x2]  }
0x16c: {  	s0 =	sadd.s32 @!p0 $0x100000, s0  }
0x16d: {  	[sflag:s0] =	ssyncadd.tile.s32 @!p0 $0x1;
	_ =	shalt  }
.Lfunc_end2:
_tile_overlayer_lowered:
.L_overlay_start_2:
0x16e: {  	(tag) =	ssettag $0x2  }
0x16f: {  	s0 =	rddreg [dreg:$0x0];
	s2 =	stileid.u32  }
0x170: {  	s1 =	rddreg [dreg:$0x1];
	p0 =	sne.s32 s2, $0x0  }
0x171: {  	s3 =	rddreg [dreg:$0x2];
	[bflag:$0x3] =	sbarrier.arrive $0xFFFF;
	s2 =	simm.s32 @!p0 $0x1C02  }
0x172: {  	[timem:s3], [sflag:s2] =	dma.local @!p0 [hbm:s0], s1  }
0x173: {  	s0 =	simm.s32 @!p0 $0x2  }
0x174: {  	_ =	swait.ge @!p0 [sflag:s0], s1  }
0x175: {  	s1 =	ssub.s32 @!p0 $0x0, s1;
	[sflag:s0] =	ssyncset.done @!p0 $0x0  }
0x176: {  	[sflag:s0] =	ssyncadd.s32 @!p0 s1  }
0x177: {  	[bflag:$0x3] =	sbarrier.arrive $0xFFFF  }
0x178: {  	_ =	shalt  }

</sc_bundles>
